<compile_context>
chip_gen: v7x
topology: tpu7x:2x2x1
jax: 0.10.2.dev20260603
libtpu: 0.0.44.dev20260713+nightly
codegen_flags: <defaults>
</compile_context>

<pallas_src>
import jax
import jax.numpy as jnp
from jax import lax
from jax.experimental import pallas as pl
from jax.experimental.pallas import tpu as pltpu
from jax.experimental.pallas import tpu_sc as plsc

_T_RES = 600
_X_RES = 300
_Y_RES = 300
_N = 262144
_W = 18

_NC = 2
_NS = 16
_NW = _NC * _NS

_PTS_PER_W = _N // _NW
_CHUNK = 2048
_N_CHUNK = _PTS_PER_W // _CHUNK
_ROWS = _CHUNK * _W
_GSZ = 512
_NG = _ROWS // _GSZ
_KFLY = 8


def _sc_body(t_hbm, x_hbm, y_hbm, tab_hbm, out_hbm,
             tv, xv, yv, idx_v, rows_v, sem):
    cid = lax.axis_index("c")
    sid = lax.axis_index("s")
    wid = sid * _NC + cid
    base = wid * _PTS_PER_W
    lane = lax.iota(jnp.int32, 16)

    def chunk_body(c, carry):
        off = base + c * _CHUNK
        pltpu.sync_copy(t_hbm.at[pl.ds(off, _CHUNK)], tv)
        pltpu.sync_copy(x_hbm.at[pl.ds(off, _CHUNK)], xv)
        pltpu.sync_copy(y_hbm.at[pl.ds(off, _CHUNK)], yv)

        def grp_body(g, carry2):
            l = g * 16
            tf = tv[pl.ds(l, 16)]
            xf = xv[pl.ds(l, 16)]
            yf = yv[pl.ds(l, 16)]
            ti = jnp.clip((tf * float(_T_RES - 1) + 0.5).astype(jnp.int32),
                          0, _T_RES - 1)
            xi = jnp.clip((xf * float(_X_RES - 1) + 0.5).astype(jnp.int32),
                          0, _X_RES - 1)
            yi = jnp.clip((yf * float(_Y_RES - 1) + 0.5).astype(jnp.int32),
                          0, _Y_RES - 1)
            pos0 = (l + lane) * _W
            for dx in (-1, 0, 1):
                vx = jnp.clip(xi + dx, 0, _X_RES - 1)
                rowx = vx * (_Y_RES * 2 * _T_RES) + ti
                for dy in (-1, 0, 1):
                    vy = jnp.clip(yi + dy, 0, _Y_RES - 1)
                    k = 3 * (dx + 1) + (dy + 1)
                    a0 = rowx + vy * (2 * _T_RES)
                    plsc.store_scatter(idx_v, [pos0 + 2 * k], a0)
                    plsc.store_scatter(idx_v, [pos0 + 2 * k + 1],
                                       a0 + _T_RES)
            return carry2

        lax.fori_loop(0, _CHUNK // 16, grp_body, 0, unroll=False)

        def gather_body(b, carry2):
            copies = []
            for u in range(_KFLY):
                g = b * _KFLY + u
                copies.append(pltpu.async_copy(
                    tab_hbm.at[idx_v.at[pl.ds(g * _GSZ, _GSZ)]],
                    rows_v.at[pl.ds(g * _GSZ, _GSZ)], sem))
            for cp in copies:
                cp.wait()
            return carry2

        lax.fori_loop(0, _NG // _KFLY, gather_body, 0, unroll=False)

        pltpu.sync_copy(rows_v, out_hbm.at[pl.ds(off * _W, _ROWS)])
        return carry

    lax.fori_loop(0, _N_CHUNK, chunk_body, 0, unroll=False)


@jax.jit
def kernel(inputs, embeddings):
    t = inputs[:, 0]
    x = inputs[:, 1]
    y = inputs[:, 2]
    tab = jnp.transpose(embeddings, (1, 2, 3, 0)).reshape(-1)

    mesh = plsc.VectorSubcoreMesh(core_axis_name="c", subcore_axis_name="s")
    call = pl.kernel(
        _sc_body,
        out_type=jax.ShapeDtypeStruct((_N * _W,), jnp.float32),
        mesh=mesh,
        compiler_params=pltpu.CompilerParams(
            needs_layout_passes=False, use_tc_tiling_on_sc=False),
        scratch_types=[
            pltpu.VMEM((_CHUNK,), jnp.float32),
            pltpu.VMEM((_CHUNK,), jnp.float32),
            pltpu.VMEM((_CHUNK,), jnp.float32),
            pltpu.VMEM((_ROWS,), jnp.int32),
            pltpu.VMEM((_ROWS,), jnp.float32),
            pltpu.SemaphoreType.DMA,
        ],
    )
    out = call(t, x, y, tab)
    return out.reshape(_N, _W)

# --- scband reference (transcript-rebuilt; emitter-appended) ---
"""Pipeline reference for scband-sparse-grid-32177894981983 (READ-ONLY COPY).

The authoritative reference and input builder live on the scoring server;
editing this copy changes nothing except your own understanding.
"""

import jax, jax.numpy as jnp
import numpy as np

T_RES = 600
X_RES = 300
Y_RES = 300
LEVEL_DIM = 2
N_PTS = 262144


def setup_inputs(seed: int = 0) -> dict:
    key = jax.random.key(seed)
    k1, k2 = jax.random.split(key)
    inputs = jax.random.uniform(k1, (N_PTS, 3), dtype=jnp.float32)
    std = 0.0001
    embeddings = jax.random.uniform(
        k2, (T_RES, X_RES, Y_RES, LEVEL_DIM), dtype=jnp.float32,
        minval=-std, maxval=std)
    return {"inputs": inputs, "embeddings": embeddings}


def reference(inputs, embeddings):
    t_res, x_res, y_res = T_RES, X_RES, Y_RES
    t_coord = inputs[:, 0]
    t_coord_float = (t_res - 1) * t_coord
    t_coord_idx = (t_coord_float + 0.5).astype(jnp.int32)
    t_coord_idx = jnp.clip(t_coord_idx, 0, t_res - 1)
    x_coord = inputs[:, 1]
    x_coord_float = (x_res - 1) * x_coord
    x_coord_idx = (x_coord_float + 0.5).astype(jnp.int32)
    x_coord_idx = jnp.clip(x_coord_idx, 0, x_res - 1)
    y_coord = inputs[:, 2]
    y_coord_float = (y_res - 1) * y_coord
    y_coord_idx = (y_coord_float + 0.5).astype(jnp.int32)
    y_coord_idx = jnp.clip(y_coord_idx, 0, y_res - 1)
    feats = []
    unfold_list = [-1, 0, 1]
    for i in unfold_list:
        for j in unfold_list:
            vx = jnp.clip(x_coord_idx + i, 0, x_res - 1)
            vy = jnp.clip(y_coord_idx + j, 0, y_res - 1)
            feat = embeddings[t_coord_idx, vx, vy, :]
            feats.append(feat)
    grid_features = jnp.concatenate(feats, axis=1)
    return grid_features

if __name__ == "__main__":
    import jax
    _d = setup_inputs()
    print(jax.jit(kernel)(*tuple(_d.values())))

</pallas_src>

<mosaic_0001>
#map = affine_map<(d0, d1) -> (0)>
module attributes {stable_mosaic.version = 14 : i64} {
  func.func @_sc_body(%arg0: i32, %arg1: i32, %arg2: memref<262144xf32, #tpu.memory_space<hbm>>, %arg3: memref<262144xf32, #tpu.memory_space<hbm>>, %arg4: memref<262144xf32, #tpu.memory_space<hbm>>, %arg5: memref<108000000xf32, #tpu.memory_space<hbm>>, %arg6: memref<4718592xf32, #tpu.memory_space<hbm>>, %arg7: memref<2048xf32, #tpu.memory_space<vmem>>, %arg8: memref<2048xf32, #tpu.memory_space<vmem>>, %arg9: memref<2048xf32, #tpu.memory_space<vmem>>, %arg10: memref<36864xi32, #tpu.memory_space<vmem>>, %arg11: memref<36864xf32, #tpu.memory_space<vmem>>, %arg12: memref<!tpu.dma_semaphore, #tpu.memory_space<semaphore_mem>>) attributes {dimension_semantics = [#tpu.dimension_semantics<core_parallel>, #tpu.dimension_semantics<subcore_parallel>], iteration_bounds = array<i64: 2, 16>, scalar_prefetch = 0 : i64, scratch_operands = 6 : i64, tpu.core_type = #tpu.core_type<sc_vector_subcore>, window_params = [{transform_indices = #map}, {transform_indices = #map}, {transform_indices = #map}, {transform_indices = #map}, {transform_indices = #map}]} {
    %mul3A = arith.constant 2 : i32
    %mul3A_0 = arith.muli %arg1, %mul3A : i32
    %add3A = arith.addi %mul3A_0, %arg0 : i32
    %mul3A_1 = arith.constant 8192 : i32
    %mul3A_2 = arith.muli %add3A, %mul3A_1 : i32
    %iota3A = tpu.iota {dimensions = array<i32: 0>} : vector<16xi32>
    %scan3A = arith.constant 0 : i32
    %scan3A_3 = arith.constant 0 : i32
    %scan3A_4 = arith.constant 4 : i32
    %scan3A_5 = arith.addi %scan3A_3, %scan3A_4 : i32
    %scan3A_6 = arith.constant 1 : i32
    scf.for %scan3A_8 = %scan3A_3 to %scan3A_5 step %scan3A_6  : i32 {
      %mul3A_9 = arith.constant 2048 : i32
      %mul3A_10 = arith.muli %scan3A_8, %mul3A_9 : i32
      %add3A_11 = arith.addi %mul3A_2, %mul3A_10 : i32
      "tpu.region"() ({
        %run_scoped3A = tpu.sem_alloc : memref<!tpu.dma_semaphore, #tpu.memory_space<semaphore_mem>>
        %dma_start3A = tpu.memref_slice %arg2[%add3A_11] : memref<262144xf32, #tpu.memory_space<hbm>> -> memref<2048xf32, #tpu.memory_space<hbm>>
        %dma_start3A_26 = tpu.memref_slice %arg2[%add3A_11] : memref<262144xf32, #tpu.memory_space<hbm>> -> memref<2048xf32, #tpu.memory_space<hbm>>
        tpu.enqueue_dma source(%dma_start3A_26 : memref<2048xf32, #tpu.memory_space<hbm>>) target(%arg7 : memref<2048xf32, #tpu.memory_space<vmem>>) target_semaphore(%run_scoped3A : memref<!tpu.dma_semaphore, #tpu.memory_space<semaphore_mem>>)
        %dma_wait3A = tpu.memref_slice %arg2[%add3A_11] : memref<262144xf32, #tpu.memory_space<hbm>> -> memref<2048xf32, #tpu.memory_space<hbm>>
        %dma_wait3A_27 = tpu.memref_slice %arg2[%add3A_11] : memref<262144xf32, #tpu.memory_space<hbm>> -> memref<2048xf32, #tpu.memory_space<hbm>>
        tpu.wait_dma2 semaphore(%run_scoped3A : memref<!tpu.dma_semaphore, #tpu.memory_space<semaphore_mem>>) src(%dma_wait3A_27 : memref<2048xf32, #tpu.memory_space<hbm>>) dst(%arg7 : memref<2048xf32, #tpu.memory_space<vmem>>)
        tpu.yield
      }) : () -> ()
      "tpu.region"() ({
        %run_scoped3A = tpu.sem_alloc : memref<!tpu.dma_semaphore, #tpu.memory_space<semaphore_mem>>
        %dma_start3A = tpu.memref_slice %arg3[%add3A_11] : memref<262144xf32, #tpu.memory_space<hbm>> -> memref<2048xf32, #tpu.memory_space<hbm>>
        %dma_start3A_26 = tpu.memref_slice %arg3[%add3A_11] : memref<262144xf32, #tpu.memory_space<hbm>> -> memref<2048xf32, #tpu.memory_space<hbm>>
        tpu.enqueue_dma source(%dma_start3A_26 : memref<2048xf32, #tpu.memory_space<hbm>>) target(%arg8 : memref<2048xf32, #tpu.memory_space<vmem>>) target_semaphore(%run_scoped3A : memref<!tpu.dma_semaphore, #tpu.memory_space<semaphore_mem>>)
        %dma_wait3A = tpu.memref_slice %arg3[%add3A_11] : memref<262144xf32, #tpu.memory_space<hbm>> -> memref<2048xf32, #tpu.memory_space<hbm>>
        %dma_wait3A_27 = tpu.memref_slice %arg3[%add3A_11] : memref<262144xf32, #tpu.memory_space<hbm>> -> memref<2048xf32, #tpu.memory_space<hbm>>
        tpu.wait_dma2 semaphore(%run_scoped3A : memref<!tpu.dma_semaphore, #tpu.memory_space<semaphore_mem>>) src(%dma_wait3A_27 : memref<2048xf32, #tpu.memory_space<hbm>>) dst(%arg8 : memref<2048xf32, #tpu.memory_space<vmem>>)
        tpu.yield
      }) : () -> ()
      "tpu.region"() ({
        %run_scoped3A = tpu.sem_alloc : memref<!tpu.dma_semaphore, #tpu.memory_space<semaphore_mem>>
        %dma_start3A = tpu.memref_slice %arg4[%add3A_11] : memref<262144xf32, #tpu.memory_space<hbm>> -> memref<2048xf32, #tpu.memory_space<hbm>>
        %dma_start3A_26 = tpu.memref_slice %arg4[%add3A_11] : memref<262144xf32, #tpu.memory_space<hbm>> -> memref<2048xf32, #tpu.memory_space<hbm>>
        tpu.enqueue_dma source(%dma_start3A_26 : memref<2048xf32, #tpu.memory_space<hbm>>) target(%arg9 : memref<2048xf32, #tpu.memory_space<vmem>>) target_semaphore(%run_scoped3A : memref<!tpu.dma_semaphore, #tpu.memory_space<semaphore_mem>>)
        %dma_wait3A = tpu.memref_slice %arg4[%add3A_11] : memref<262144xf32, #tpu.memory_space<hbm>> -> memref<2048xf32, #tpu.memory_space<hbm>>
        %dma_wait3A_27 = tpu.memref_slice %arg4[%add3A_11] : memref<262144xf32, #tpu.memory_space<hbm>> -> memref<2048xf32, #tpu.memory_space<hbm>>
        tpu.wait_dma2 semaphore(%run_scoped3A : memref<!tpu.dma_semaphore, #tpu.memory_space<semaphore_mem>>) src(%dma_wait3A_27 : memref<2048xf32, #tpu.memory_space<hbm>>) dst(%arg9 : memref<2048xf32, #tpu.memory_space<vmem>>)
        tpu.yield
      }) : () -> ()
      %scan3A_12 = arith.constant 0 : i32
      %scan3A_13 = arith.constant 0 : i32
      %scan3A_14 = arith.constant 128 : i32
      %scan3A_15 = arith.addi %scan3A_13, %scan3A_14 : i32
      %scan3A_16 = arith.constant 1 : i32
      scf.for %scan3A_26 = %scan3A_13 to %scan3A_15 step %scan3A_16  : i32 {
        %mul3A_27 = arith.constant 16 : i32
        %mul3A_28 = arith.muli %scan3A_26, %mul3A_27 : i32
        %get3A = arith.index_cast %mul3A_28 : i32 to index
        %get3A_29 = tpu.vector_load %arg7[%get3A] {strides = array<i32>} : memref<2048xf32, #tpu.memory_space<vmem>>, vector<16xf32>,
        %get3A_30 = arith.index_cast %mul3A_28 : i32 to index
        %get3A_31 = tpu.vector_load %arg8[%get3A_30] {strides = array<i32>} : memref<2048xf32, #tpu.memory_space<vmem>>, vector<16xf32>,
        %get3A_32 = arith.index_cast %mul3A_28 : i32 to index
        %get3A_33 = tpu.vector_load %arg9[%get3A_32] {strides = array<i32>} : memref<2048xf32, #tpu.memory_space<vmem>>, vector<16xf32>,
        %mul3A_34 = arith.constant 5.990000e+02 : f32
        %mul3A_35 = vector.broadcast %mul3A_34 : f32 to vector<16xf32>
        %mul3A_36 = arith.mulf %get3A_29, %mul3A_35 : vector<16xf32>
        %add3A_37 = arith.constant 5.000000e-01 : f32
        %add3A_38 = vector.broadcast %add3A_37 : f32 to vector<16xf32>
        %add3A_39 = arith.addf %mul3A_36, %add3A_38 : vector<16xf32>
        %convert_element_type3A = arith.fptosi %add3A_39 : vector<16xf32> to vector<16xi32>
        %jit3A = arith.constant 0 : i32
        %jit3A_40 = arith.constant 599 : i32
        %max3A = vector.broadcast %jit3A : i32 to vector<16xi32>
        %max3A_41 = arith.maxsi %max3A, %convert_element_type3A : vector<16xi32>
        %min3A = vector.broadcast %jit3A_40 : i32 to vector<16xi32>
        %min3A_42 = arith.minsi %min3A, %max3A_41 : vector<16xi32>
        %mul3A_43 = arith.constant 2.990000e+02 : f32
        %mul3A_44 = vector.broadcast %mul3A_43 : f32 to vector<16xf32>
        %mul3A_45 = arith.mulf %get3A_31, %mul3A_44 : vector<16xf32>
        %add3A_46 = arith.constant 5.000000e-01 : f32
        %add3A_47 = vector.broadcast %add3A_46 : f32 to vector<16xf32>
        %add3A_48 = arith.addf %mul3A_45, %add3A_47 : vector<16xf32>
        %convert_element_type3A_49 = arith.fptosi %add3A_48 : vector<16xf32> to vector<16xi32>
        %jit3A_50 = arith.constant 0 : i32
        %jit3A_51 = arith.constant 299 : i32
        %max3A_52 = vector.broadcast %jit3A_50 : i32 to vector<16xi32>
        %max3A_53 = arith.maxsi %max3A_52, %convert_element_type3A_49 : vector<16xi32>
        %min3A_54 = vector.broadcast %jit3A_51 : i32 to vector<16xi32>
        %min3A_55 = arith.minsi %min3A_54, %max3A_53 : vector<16xi32>
        %mul3A_56 = arith.constant 2.990000e+02 : f32
        %mul3A_57 = vector.broadcast %mul3A_56 : f32 to vector<16xf32>
        %mul3A_58 = arith.mulf %get3A_33, %mul3A_57 : vector<16xf32>
        %add3A_59 = arith.constant 5.000000e-01 : f32
        %add3A_60 = vector.broadcast %add3A_59 : f32 to vector<16xf32>
        %add3A_61 = arith.addf %mul3A_58, %add3A_60 : vector<16xf32>
        %convert_element_type3A_62 = arith.fptosi %add3A_61 : vector<16xf32> to vector<16xi32>
        %jit3A_63 = arith.constant 0 : i32
        %jit3A_64 = arith.constant 299 : i32
        %max3A_65 = vector.broadcast %jit3A_63 : i32 to vector<16xi32>
        %max3A_66 = arith.maxsi %max3A_65, %convert_element_type3A_62 : vector<16xi32>
        %min3A_67 = vector.broadcast %jit3A_64 : i32 to vector<16xi32>
        %min3A_68 = arith.minsi %min3A_67, %max3A_66 : vector<16xi32>
        %add3A_69 = vector.broadcast %mul3A_28 : i32 to vector<16xi32>
        %add3A_70 = arith.addi %add3A_69, %iota3A : vector<16xi32>
        %mul3A_71 = arith.constant 18 : i32
        %mul3A_72 = vector.broadcast %mul3A_71 : i32 to vector<16xi32>
        %mul3A_73 = arith.muli %add3A_70, %mul3A_72 : vector<16xi32>
        %add3A_74 = arith.constant -1 : i32
        %add3A_75 = vector.broadcast %add3A_74 : i32 to vector<16xi32>
        %add3A_76 = arith.addi %min3A_55, %add3A_75 : vector<16xi32>
        %jit3A_77 = arith.constant 0 : i32
        %jit3A_78 = arith.constant 299 : i32
        %max3A_79 = vector.broadcast %jit3A_77 : i32 to vector<16xi32>
        %max3A_80 = arith.maxsi %max3A_79, %add3A_76 : vector<16xi32>
        %min3A_81 = vector.broadcast %jit3A_78 : i32 to vector<16xi32>
        %min3A_82 = arith.minsi %min3A_81, %max3A_80 : vector<16xi32>
        %mul3A_83 = arith.constant 360000 : i32
        %mul3A_84 = vector.broadcast %mul3A_83 : i32 to vector<16xi32>
        %mul3A_85 = arith.muli %min3A_82, %mul3A_84 : vector<16xi32>
        %add3A_86 = arith.addi %mul3A_85, %min3A_42 : vector<16xi32>
        %add3A_87 = arith.constant -1 : i32
        %add3A_88 = vector.broadcast %add3A_87 : i32 to vector<16xi32>
        %add3A_89 = arith.addi %min3A_68, %add3A_88 : vector<16xi32>
        %jit3A_90 = arith.constant 0 : i32
        %jit3A_91 = arith.constant 299 : i32
        %max3A_92 = vector.broadcast %jit3A_90 : i32 to vector<16xi32>
        %max3A_93 = arith.maxsi %max3A_92, %add3A_89 : vector<16xi32>
        %min3A_94 = vector.broadcast %jit3A_91 : i32 to vector<16xi32>
        %min3A_95 = arith.minsi %min3A_94, %max3A_93 : vector<16xi32>
        %mul3A_96 = arith.constant 1200 : i32
        %mul3A_97 = vector.broadcast %mul3A_96 : i32 to vector<16xi32>
        %mul3A_98 = arith.muli %min3A_95, %mul3A_97 : vector<16xi32>
        %add3A_99 = arith.addi %add3A_86, %mul3A_98 : vector<16xi32>
        %add3A_100 = arith.constant 0 : i32
        %add3A_101 = vector.broadcast %add3A_100 : i32 to vector<16xi32>
        %add3A_102 = arith.addi %mul3A_73, %add3A_101 : vector<16xi32>
        tpu.vector_store_idx %arg10[%add3A_102], %add3A_99 : memref<36864xi32, #tpu.memory_space<vmem>>[vector<16xi32>], vector<16xi32>,
        %add3A_103 = arith.constant 0 : i32
        %add3A_104 = vector.broadcast %add3A_103 : i32 to vector<16xi32>
        %add3A_105 = arith.addi %mul3A_73, %add3A_104 : vector<16xi32>
        %add3A_106 = arith.constant 1 : i32
        %add3A_107 = vector.broadcast %add3A_106 : i32 to vector<16xi32>
        %add3A_108 = arith.addi %add3A_105, %add3A_107 : vector<16xi32>
        %add3A_109 = arith.constant 600 : i32
        %add3A_110 = vector.broadcast %add3A_109 : i32 to vector<16xi32>
        %add3A_111 = arith.addi %add3A_99, %add3A_110 : vector<16xi32>
        tpu.vector_store_idx %arg10[%add3A_108], %add3A_111 : memref<36864xi32, #tpu.memory_space<vmem>>[vector<16xi32>], vector<16xi32>,
        %add3A_112 = arith.constant 0 : i32
        %add3A_113 = vector.broadcast %add3A_112 : i32 to vector<16xi32>
        %add3A_114 = arith.addi %min3A_68, %add3A_113 : vector<16xi32>
        %jit3A_115 = arith.constant 0 : i32
        %jit3A_116 = arith.constant 299 : i32
        %max3A_117 = vector.broadcast %jit3A_115 : i32 to vector<16xi32>
        %max3A_118 = arith.maxsi %max3A_117, %add3A_114 : vector<16xi32>
        %min3A_119 = vector.broadcast %jit3A_116 : i32 to vector<16xi32>
        %min3A_120 = arith.minsi %min3A_119, %max3A_118 : vector<16xi32>
        %mul3A_121 = arith.constant 1200 : i32
        %mul3A_122 = vector.broadcast %mul3A_121 : i32 to vector<16xi32>
        %mul3A_123 = arith.muli %min3A_120, %mul3A_122 : vector<16xi32>
        %add3A_124 = arith.addi %add3A_86, %mul3A_123 : vector<16xi32>
        %add3A_125 = arith.constant 2 : i32
        %add3A_126 = vector.broadcast %add3A_125 : i32 to vector<16xi32>
        %add3A_127 = arith.addi %mul3A_73, %add3A_126 : vector<16xi32>
        tpu.vector_store_idx %arg10[%add3A_127], %add3A_124 : memref<36864xi32, #tpu.memory_space<vmem>>[vector<16xi32>], vector<16xi32>,
        %add3A_128 = arith.constant 2 : i32
        %add3A_129 = vector.broadcast %add3A_128 : i32 to vector<16xi32>
        %add3A_130 = arith.addi %mul3A_73, %add3A_129 : vector<16xi32>
        %add3A_131 = arith.constant 1 : i32
        %add3A_132 = vector.broadcast %add3A_131 : i32 to vector<16xi32>
        %add3A_133 = arith.addi %add3A_130, %add3A_132 : vector<16xi32>
        %add3A_134 = arith.constant 600 : i32
        %add3A_135 = vector.broadcast %add3A_134 : i32 to vector<16xi32>
        %add3A_136 = arith.addi %add3A_124, %add3A_135 : vector<16xi32>
        tpu.vector_store_idx %arg10[%add3A_133], %add3A_136 : memref<36864xi32, #tpu.memory_space<vmem>>[vector<16xi32>], vector<16xi32>,
        %add3A_137 = arith.constant 1 : i32
        %add3A_138 = vector.broadcast %add3A_137 : i32 to vector<16xi32>
        %add3A_139 = arith.addi %min3A_68, %add3A_138 : vector<16xi32>
        %jit3A_140 = arith.constant 0 : i32
        %jit3A_141 = arith.constant 299 : i32
        %max3A_142 = vector.broadcast %jit3A_140 : i32 to vector<16xi32>
        %max3A_143 = arith.maxsi %max3A_142, %add3A_139 : vector<16xi32>
        %min3A_144 = vector.broadcast %jit3A_141 : i32 to vector<16xi32>
        %min3A_145 = arith.minsi %min3A_144, %max3A_143 : vector<16xi32>
        %mul3A_146 = arith.constant 1200 : i32
        %mul3A_147 = vector.broadcast %mul3A_146 : i32 to vector<16xi32>
        %mul3A_148 = arith.muli %min3A_145, %mul3A_147 : vector<16xi32>
        %add3A_149 = arith.addi %add3A_86, %mul3A_148 : vector<16xi32>
        %add3A_150 = arith.constant 4 : i32
        %add3A_151 = vector.broadcast %add3A_150 : i32 to vector<16xi32>
        %add3A_152 = arith.addi %mul3A_73, %add3A_151 : vector<16xi32>
        tpu.vector_store_idx %arg10[%add3A_152], %add3A_149 : memref<36864xi32, #tpu.memory_space<vmem>>[vector<16xi32>], vector<16xi32>,
        %add3A_153 = arith.constant 4 : i32
        %add3A_154 = vector.broadcast %add3A_153 : i32 to vector<16xi32>
        %add3A_155 = arith.addi %mul3A_73, %add3A_154 : vector<16xi32>
        %add3A_156 = arith.constant 1 : i32
        %add3A_157 = vector.broadcast %add3A_156 : i32 to vector<16xi32>
        %add3A_158 = arith.addi %add3A_155, %add3A_157 : vector<16xi32>
        %add3A_159 = arith.constant 600 : i32
        %add3A_160 = vector.broadcast %add3A_159 : i32 to vector<16xi32>
        %add3A_161 = arith.addi %add3A_149, %add3A_160 : vector<16xi32>
        tpu.vector_store_idx %arg10[%add3A_158], %add3A_161 : memref<36864xi32, #tpu.memory_space<vmem>>[vector<16xi32>], vector<16xi32>,
        %add3A_162 = arith.constant 0 : i32
        %add3A_163 = vector.broadcast %add3A_162 : i32 to vector<16xi32>
        %add3A_164 = arith.addi %min3A_55, %add3A_163 : vector<16xi32>
        %jit3A_165 = arith.constant 0 : i32
        %jit3A_166 = arith.constant 299 : i32
        %max3A_167 = vector.broadcast %jit3A_165 : i32 to vector<16xi32>
        %max3A_168 = arith.maxsi %max3A_167, %add3A_164 : vector<16xi32>
        %min3A_169 = vector.broadcast %jit3A_166 : i32 to vector<16xi32>
        %min3A_170 = arith.minsi %min3A_169, %max3A_168 : vector<16xi32>
        %mul3A_171 = arith.constant 360000 : i32
        %mul3A_172 = vector.broadcast %mul3A_171 : i32 to vector<16xi32>
        %mul3A_173 = arith.muli %min3A_170, %mul3A_172 : vector<16xi32>
        %add3A_174 = arith.addi %mul3A_173, %min3A_42 : vector<16xi32>
        %add3A_175 = arith.constant -1 : i32
        %add3A_176 = vector.broadcast %add3A_175 : i32 to vector<16xi32>
        %add3A_177 = arith.addi %min3A_68, %add3A_176 : vector<16xi32>
        %jit3A_178 = arith.constant 0 : i32
        %jit3A_179 = arith.constant 299 : i32
        %max3A_180 = vector.broadcast %jit3A_178 : i32 to vector<16xi32>
        %max3A_181 = arith.maxsi %max3A_180, %add3A_177 : vector<16xi32>
        %min3A_182 = vector.broadcast %jit3A_179 : i32 to vector<16xi32>
        %min3A_183 = arith.minsi %min3A_182, %max3A_181 : vector<16xi32>
        %mul3A_184 = arith.constant 1200 : i32
        %mul3A_185 = vector.broadcast %mul3A_184 : i32 to vector<16xi32>
        %mul3A_186 = arith.muli %min3A_183, %mul3A_185 : vector<16xi32>
        %add3A_187 = arith.addi %add3A_174, %mul3A_186 : vector<16xi32>
        %add3A_188 = arith.constant 6 : i32
        %add3A_189 = vector.broadcast %add3A_188 : i32 to vector<16xi32>
        %add3A_190 = arith.addi %mul3A_73, %add3A_189 : vector<16xi32>
        tpu.vector_store_idx %arg10[%add3A_190], %add3A_187 : memref<36864xi32, #tpu.memory_space<vmem>>[vector<16xi32>], vector<16xi32>,
        %add3A_191 = arith.constant 6 : i32
        %add3A_192 = vector.broadcast %add3A_191 : i32 to vector<16xi32>
        %add3A_193 = arith.addi %mul3A_73, %add3A_192 : vector<16xi32>
        %add3A_194 = arith.constant 1 : i32
        %add3A_195 = vector.broadcast %add3A_194 : i32 to vector<16xi32>
        %add3A_196 = arith.addi %add3A_193, %add3A_195 : vector<16xi32>
        %add3A_197 = arith.constant 600 : i32
        %add3A_198 = vector.broadcast %add3A_197 : i32 to vector<16xi32>
        %add3A_199 = arith.addi %add3A_187, %add3A_198 : vector<16xi32>
        tpu.vector_store_idx %arg10[%add3A_196], %add3A_199 : memref<36864xi32, #tpu.memory_space<vmem>>[vector<16xi32>], vector<16xi32>,
        %add3A_200 = arith.constant 0 : i32
        %add3A_201 = vector.broadcast %add3A_200 : i32 to vector<16xi32>
        %add3A_202 = arith.addi %min3A_68, %add3A_201 : vector<16xi32>
        %jit3A_203 = arith.constant 0 : i32
        %jit3A_204 = arith.constant 299 : i32
        %max3A_205 = vector.broadcast %jit3A_203 : i32 to vector<16xi32>
        %max3A_206 = arith.maxsi %max3A_205, %add3A_202 : vector<16xi32>
        %min3A_207 = vector.broadcast %jit3A_204 : i32 to vector<16xi32>
        %min3A_208 = arith.minsi %min3A_207, %max3A_206 : vector<16xi32>
        %mul3A_209 = arith.constant 1200 : i32
        %mul3A_210 = vector.broadcast %mul3A_209 : i32 to vector<16xi32>
        %mul3A_211 = arith.muli %min3A_208, %mul3A_210 : vector<16xi32>
        %add3A_212 = arith.addi %add3A_174, %mul3A_211 : vector<16xi32>
        %add3A_213 = arith.constant 8 : i32
        %add3A_214 = vector.broadcast %add3A_213 : i32 to vector<16xi32>
        %add3A_215 = arith.addi %mul3A_73, %add3A_214 : vector<16xi32>
        tpu.vector_store_idx %arg10[%add3A_215], %add3A_212 : memref<36864xi32, #tpu.memory_space<vmem>>[vector<16xi32>], vector<16xi32>,
        %add3A_216 = arith.constant 8 : i32
        %add3A_217 = vector.broadcast %add3A_216 : i32 to vector<16xi32>
        %add3A_218 = arith.addi %mul3A_73, %add3A_217 : vector<16xi32>
        %add3A_219 = arith.constant 1 : i32
        %add3A_220 = vector.broadcast %add3A_219 : i32 to vector<16xi32>
        %add3A_221 = arith.addi %add3A_218, %add3A_220 : vector<16xi32>
        %add3A_222 = arith.constant 600 : i32
        %add3A_223 = vector.broadcast %add3A_222 : i32 to vector<16xi32>
        %add3A_224 = arith.addi %add3A_212, %add3A_223 : vector<16xi32>
        tpu.vector_store_idx %arg10[%add3A_221], %add3A_224 : memref<36864xi32, #tpu.memory_space<vmem>>[vector<16xi32>], vector<16xi32>,
        %add3A_225 = arith.constant 1 : i32
        %add3A_226 = vector.broadcast %add3A_225 : i32 to vector<16xi32>
        %add3A_227 = arith.addi %min3A_68, %add3A_226 : vector<16xi32>
        %jit3A_228 = arith.constant 0 : i32
        %jit3A_229 = arith.constant 299 : i32
        %max3A_230 = vector.broadcast %jit3A_228 : i32 to vector<16xi32>
        %max3A_231 = arith.maxsi %max3A_230, %add3A_227 : vector<16xi32>
        %min3A_232 = vector.broadcast %jit3A_229 : i32 to vector<16xi32>
        %min3A_233 = arith.minsi %min3A_232, %max3A_231 : vector<16xi32>
        %mul3A_234 = arith.constant 1200 : i32
        %mul3A_235 = vector.broadcast %mul3A_234 : i32 to vector<16xi32>
        %mul3A_236 = arith.muli %min3A_233, %mul3A_235 : vector<16xi32>
        %add3A_237 = arith.addi %add3A_174, %mul3A_236 : vector<16xi32>
        %add3A_238 = arith.constant 10 : i32
        %add3A_239 = vector.broadcast %add3A_238 : i32 to vector<16xi32>
        %add3A_240 = arith.addi %mul3A_73, %add3A_239 : vector<16xi32>
        tpu.vector_store_idx %arg10[%add3A_240], %add3A_237 : memref<36864xi32, #tpu.memory_space<vmem>>[vector<16xi32>], vector<16xi32>,
        %add3A_241 = arith.constant 10 : i32
        %add3A_242 = vector.broadcast %add3A_241 : i32 to vector<16xi32>
        %add3A_243 = arith.addi %mul3A_73, %add3A_242 : vector<16xi32>
        %add3A_244 = arith.constant 1 : i32
        %add3A_245 = vector.broadcast %add3A_244 : i32 to vector<16xi32>
        %add3A_246 = arith.addi %add3A_243, %add3A_245 : vector<16xi32>
        %add3A_247 = arith.constant 600 : i32
        %add3A_248 = vector.broadcast %add3A_247 : i32 to vector<16xi32>
        %add3A_249 = arith.addi %add3A_237, %add3A_248 : vector<16xi32>
        tpu.vector_store_idx %arg10[%add3A_246], %add3A_249 : memref<36864xi32, #tpu.memory_space<vmem>>[vector<16xi32>], vector<16xi32>,
        %add3A_250 = arith.constant 1 : i32
        %add3A_251 = vector.broadcast %add3A_250 : i32 to vector<16xi32>
        %add3A_252 = arith.addi %min3A_55, %add3A_251 : vector<16xi32>
        %jit3A_253 = arith.constant 0 : i32
        %jit3A_254 = arith.constant 299 : i32
        %max3A_255 = vector.broadcast %jit3A_253 : i32 to vector<16xi32>
        %max3A_256 = arith.maxsi %max3A_255, %add3A_252 : vector<16xi32>
        %min3A_257 = vector.broadcast %jit3A_254 : i32 to vector<16xi32>
        %min3A_258 = arith.minsi %min3A_257, %max3A_256 : vector<16xi32>
        %mul3A_259 = arith.constant 360000 : i32
        %mul3A_260 = vector.broadcast %mul3A_259 : i32 to vector<16xi32>
        %mul3A_261 = arith.muli %min3A_258, %mul3A_260 : vector<16xi32>
        %add3A_262 = arith.addi %mul3A_261, %min3A_42 : vector<16xi32>
        %add3A_263 = arith.constant -1 : i32
        %add3A_264 = vector.broadcast %add3A_263 : i32 to vector<16xi32>
        %add3A_265 = arith.addi %min3A_68, %add3A_264 : vector<16xi32>
        %jit3A_266 = arith.constant 0 : i32
        %jit3A_267 = arith.constant 299 : i32
        %max3A_268 = vector.broadcast %jit3A_266 : i32 to vector<16xi32>
        %max3A_269 = arith.maxsi %max3A_268, %add3A_265 : vector<16xi32>
        %min3A_270 = vector.broadcast %jit3A_267 : i32 to vector<16xi32>
        %min3A_271 = arith.minsi %min3A_270, %max3A_269 : vector<16xi32>
        %mul3A_272 = arith.constant 1200 : i32
        %mul3A_273 = vector.broadcast %mul3A_272 : i32 to vector<16xi32>
        %mul3A_274 = arith.muli %min3A_271, %mul3A_273 : vector<16xi32>
        %add3A_275 = arith.addi %add3A_262, %mul3A_274 : vector<16xi32>
        %add3A_276 = arith.constant 12 : i32
        %add3A_277 = vector.broadcast %add3A_276 : i32 to vector<16xi32>
        %add3A_278 = arith.addi %mul3A_73, %add3A_277 : vector<16xi32>
        tpu.vector_store_idx %arg10[%add3A_278], %add3A_275 : memref<36864xi32, #tpu.memory_space<vmem>>[vector<16xi32>], vector<16xi32>,
        %add3A_279 = arith.constant 12 : i32
        %add3A_280 = vector.broadcast %add3A_279 : i32 to vector<16xi32>
        %add3A_281 = arith.addi %mul3A_73, %add3A_280 : vector<16xi32>
        %add3A_282 = arith.constant 1 : i32
        %add3A_283 = vector.broadcast %add3A_282 : i32 to vector<16xi32>
        %add3A_284 = arith.addi %add3A_281, %add3A_283 : vector<16xi32>
        %add3A_285 = arith.constant 600 : i32
        %add3A_286 = vector.broadcast %add3A_285 : i32 to vector<16xi32>
        %add3A_287 = arith.addi %add3A_275, %add3A_286 : vector<16xi32>
        tpu.vector_store_idx %arg10[%add3A_284], %add3A_287 : memref<36864xi32, #tpu.memory_space<vmem>>[vector<16xi32>], vector<16xi32>,
        %add3A_288 = arith.constant 0 : i32
        %add3A_289 = vector.broadcast %add3A_288 : i32 to vector<16xi32>
        %add3A_290 = arith.addi %min3A_68, %add3A_289 : vector<16xi32>
        %jit3A_291 = arith.constant 0 : i32
        %jit3A_292 = arith.constant 299 : i32
        %max3A_293 = vector.broadcast %jit3A_291 : i32 to vector<16xi32>
        %max3A_294 = arith.maxsi %max3A_293, %add3A_290 : vector<16xi32>
        %min3A_295 = vector.broadcast %jit3A_292 : i32 to vector<16xi32>
        %min3A_296 = arith.minsi %min3A_295, %max3A_294 : vector<16xi32>
        %mul3A_297 = arith.constant 1200 : i32
        %mul3A_298 = vector.broadcast %mul3A_297 : i32 to vector<16xi32>
        %mul3A_299 = arith.muli %min3A_296, %mul3A_298 : vector<16xi32>
        %add3A_300 = arith.addi %add3A_262, %mul3A_299 : vector<16xi32>
        %add3A_301 = arith.constant 14 : i32
        %add3A_302 = vector.broadcast %add3A_301 : i32 to vector<16xi32>
        %add3A_303 = arith.addi %mul3A_73, %add3A_302 : vector<16xi32>
        tpu.vector_store_idx %arg10[%add3A_303], %add3A_300 : memref<36864xi32, #tpu.memory_space<vmem>>[vector<16xi32>], vector<16xi32>,
        %add3A_304 = arith.constant 14 : i32
        %add3A_305 = vector.broadcast %add3A_304 : i32 to vector<16xi32>
        %add3A_306 = arith.addi %mul3A_73, %add3A_305 : vector<16xi32>
        %add3A_307 = arith.constant 1 : i32
        %add3A_308 = vector.broadcast %add3A_307 : i32 to vector<16xi32>
        %add3A_309 = arith.addi %add3A_306, %add3A_308 : vector<16xi32>
        %add3A_310 = arith.constant 600 : i32
        %add3A_311 = vector.broadcast %add3A_310 : i32 to vector<16xi32>
        %add3A_312 = arith.addi %add3A_300, %add3A_311 : vector<16xi32>
        tpu.vector_store_idx %arg10[%add3A_309], %add3A_312 : memref<36864xi32, #tpu.memory_space<vmem>>[vector<16xi32>], vector<16xi32>,
        %add3A_313 = arith.constant 1 : i32
        %add3A_314 = vector.broadcast %add3A_313 : i32 to vector<16xi32>
        %add3A_315 = arith.addi %min3A_68, %add3A_314 : vector<16xi32>
        %jit3A_316 = arith.constant 0 : i32
        %jit3A_317 = arith.constant 299 : i32
        %max3A_318 = vector.broadcast %jit3A_316 : i32 to vector<16xi32>
        %max3A_319 = arith.maxsi %max3A_318, %add3A_315 : vector<16xi32>
        %min3A_320 = vector.broadcast %jit3A_317 : i32 to vector<16xi32>
        %min3A_321 = arith.minsi %min3A_320, %max3A_319 : vector<16xi32>
        %mul3A_322 = arith.constant 1200 : i32
        %mul3A_323 = vector.broadcast %mul3A_322 : i32 to vector<16xi32>
        %mul3A_324 = arith.muli %min3A_321, %mul3A_323 : vector<16xi32>
        %add3A_325 = arith.addi %add3A_262, %mul3A_324 : vector<16xi32>
        %add3A_326 = arith.constant 16 : i32
        %add3A_327 = vector.broadcast %add3A_326 : i32 to vector<16xi32>
        %add3A_328 = arith.addi %mul3A_73, %add3A_327 : vector<16xi32>
        tpu.vector_store_idx %arg10[%add3A_328], %add3A_325 : memref<36864xi32, #tpu.memory_space<vmem>>[vector<16xi32>], vector<16xi32>,
        %add3A_329 = arith.constant 16 : i32
        %add3A_330 = vector.broadcast %add3A_329 : i32 to vector<16xi32>
        %add3A_331 = arith.addi %mul3A_73, %add3A_330 : vector<16xi32>
        %add3A_332 = arith.constant 1 : i32
        %add3A_333 = vector.broadcast %add3A_332 : i32 to vector<16xi32>
        %add3A_334 = arith.addi %add3A_331, %add3A_333 : vector<16xi32>
        %add3A_335 = arith.constant 600 : i32
        %add3A_336 = vector.broadcast %add3A_335 : i32 to vector<16xi32>
        %add3A_337 = arith.addi %add3A_325, %add3A_336 : vector<16xi32>
        tpu.vector_store_idx %arg10[%add3A_334], %add3A_337 : memref<36864xi32, #tpu.memory_space<vmem>>[vector<16xi32>], vector<16xi32>,
      }
      %scan3A_17 = arith.constant 128 : i32
      %scan3A_18 = arith.constant 0 : i32
      %scan3A_19 = arith.constant 0 : i32
      %scan3A_20 = arith.constant 9 : i32
      %scan3A_21 = arith.addi %scan3A_19, %scan3A_20 : i32
      %scan3A_22 = arith.constant 1 : i32
      scf.for %scan3A_26 = %scan3A_19 to %scan3A_21 step %scan3A_22  : i32 {
        %mul3A_27 = arith.constant 8 : i32
        %mul3A_28 = arith.muli %scan3A_26, %mul3A_27 : i32
        %add3A_29 = arith.constant 0 : i32
        %add3A_30 = arith.addi %mul3A_28, %add3A_29 : i32
        %mul3A_31 = arith.constant 512 : i32
        %mul3A_32 = arith.muli %add3A_30, %mul3A_31 : i32
        %mul3A_33 = arith.constant 512 : i32
        %mul3A_34 = arith.muli %add3A_30, %mul3A_33 : i32
        %dma_start3A = tpu.memref_slice %arg11[%mul3A_34] : memref<36864xf32, #tpu.memory_space<vmem>> -> memref<512xf32, #tpu.memory_space<vmem>>
        %dma_start3A_35 = tpu.memref_slice %arg10[%mul3A_32] : memref<36864xi32, #tpu.memory_space<vmem>> -> memref<512xi32, #tpu.memory_space<vmem>>
        %dma_start3A_36 = arith.constant 0 : i32
        %dma_start3A_37 = tpu.memref_slice %arg5[%dma_start3A_36] : memref<108000000xf32, #tpu.memory_space<hbm>> -> memref<108000000xf32, #tpu.memory_space<hbm>>
        tpu.enqueue_indirect_dma source(%dma_start3A_37 : memref<108000000xf32, #tpu.memory_space<hbm>>) target(%dma_start3A : memref<512xf32, #tpu.memory_space<vmem>>) offsets(%dma_start3A_35 : memref<512xi32, #tpu.memory_space<vmem>>) semaphore(%arg12 : memref<!tpu.dma_semaphore, #tpu.memory_space<semaphore_mem>>)
        %mul3A_38 = arith.constant 8 : i32
        %mul3A_39 = arith.muli %scan3A_26, %mul3A_38 : i32
        %add3A_40 = arith.constant 1 : i32
        %add3A_41 = arith.addi %mul3A_39, %add3A_40 : i32
        %mul3A_42 = arith.constant 512 : i32
        %mul3A_43 = arith.muli %add3A_41, %mul3A_42 : i32
        %mul3A_44 = arith.constant 512 : i32
        %mul3A_45 = arith.muli %add3A_41, %mul3A_44 : i32
        %dma_start3A_46 = tpu.memref_slice %arg11[%mul3A_45] : memref<36864xf32, #tpu.memory_space<vmem>> -> memref<512xf32, #tpu.memory_space<vmem>>
        %dma_start3A_47 = tpu.memref_slice %arg10[%mul3A_43] : memref<36864xi32, #tpu.memory_space<vmem>> -> memref<512xi32, #tpu.memory_space<vmem>>
        %dma_start3A_48 = arith.constant 0 : i32
        %dma_start3A_49 = tpu.memref_slice %arg5[%dma_start3A_48] : memref<108000000xf32, #tpu.memory_space<hbm>> -> memref<108000000xf32, #tpu.memory_space<hbm>>
        tpu.enqueue_indirect_dma source(%dma_start3A_49 : memref<108000000xf32, #tpu.memory_space<hbm>>) target(%dma_start3A_46 : memref<512xf32, #tpu.memory_space<vmem>>) offsets(%dma_start3A_47 : memref<512xi32, #tpu.memory_space<vmem>>) semaphore(%arg12 : memref<!tpu.dma_semaphore, #tpu.memory_space<semaphore_mem>>)
        %mul3A_50 = arith.constant 8 : i32
        %mul3A_51 = arith.muli %scan3A_26, %mul3A_50 : i32
        %add3A_52 = arith.constant 2 : i32
        %add3A_53 = arith.addi %mul3A_51, %add3A_52 : i32
        %mul3A_54 = arith.constant 512 : i32
        %mul3A_55 = arith.muli %add3A_53, %mul3A_54 : i32
        %mul3A_56 = arith.constant 512 : i32
        %mul3A_57 = arith.muli %add3A_53, %mul3A_56 : i32
        %dma_start3A_58 = tpu.memref_slice %arg11[%mul3A_57] : memref<36864xf32, #tpu.memory_space<vmem>> -> memref<512xf32, #tpu.memory_space<vmem>>
        %dma_start3A_59 = tpu.memref_slice %arg10[%mul3A_55] : memref<36864xi32, #tpu.memory_space<vmem>> -> memref<512xi32, #tpu.memory_space<vmem>>
        %dma_start3A_60 = arith.constant 0 : i32
        %dma_start3A_61 = tpu.memref_slice %arg5[%dma_start3A_60] : memref<108000000xf32, #tpu.memory_space<hbm>> -> memref<108000000xf32, #tpu.memory_space<hbm>>
        tpu.enqueue_indirect_dma source(%dma_start3A_61 : memref<108000000xf32, #tpu.memory_space<hbm>>) target(%dma_start3A_58 : memref<512xf32, #tpu.memory_space<vmem>>) offsets(%dma_start3A_59 : memref<512xi32, #tpu.memory_space<vmem>>) semaphore(%arg12 : memref<!tpu.dma_semaphore, #tpu.memory_space<semaphore_mem>>)
        %mul3A_62 = arith.constant 8 : i32
        %mul3A_63 = arith.muli %scan3A_26, %mul3A_62 : i32
        %add3A_64 = arith.constant 3 : i32
        %add3A_65 = arith.addi %mul3A_63, %add3A_64 : i32
        %mul3A_66 = arith.constant 512 : i32
        %mul3A_67 = arith.muli %add3A_65, %mul3A_66 : i32
        %mul3A_68 = arith.constant 512 : i32
        %mul3A_69 = arith.muli %add3A_65, %mul3A_68 : i32
        %dma_start3A_70 = tpu.memref_slice %arg11[%mul3A_69] : memref<36864xf32, #tpu.memory_space<vmem>> -> memref<512xf32, #tpu.memory_space<vmem>>
        %dma_start3A_71 = tpu.memref_slice %arg10[%mul3A_67] : memref<36864xi32, #tpu.memory_space<vmem>> -> memref<512xi32, #tpu.memory_space<vmem>>
        %dma_start3A_72 = arith.constant 0 : i32
        %dma_start3A_73 = tpu.memref_slice %arg5[%dma_start3A_72] : memref<108000000xf32, #tpu.memory_space<hbm>> -> memref<108000000xf32, #tpu.memory_space<hbm>>
        tpu.enqueue_indirect_dma source(%dma_start3A_73 : memref<108000000xf32, #tpu.memory_space<hbm>>) target(%dma_start3A_70 : memref<512xf32, #tpu.memory_space<vmem>>) offsets(%dma_start3A_71 : memref<512xi32, #tpu.memory_space<vmem>>) semaphore(%arg12 : memref<!tpu.dma_semaphore, #tpu.memory_space<semaphore_mem>>)
        %mul3A_74 = arith.constant 8 : i32
        %mul3A_75 = arith.muli %scan3A_26, %mul3A_74 : i32
        %add3A_76 = arith.constant 4 : i32
        %add3A_77 = arith.addi %mul3A_75, %add3A_76 : i32
        %mul3A_78 = arith.constant 512 : i32
        %mul3A_79 = arith.muli %add3A_77, %mul3A_78 : i32
        %mul3A_80 = arith.constant 512 : i32
        %mul3A_81 = arith.muli %add3A_77, %mul3A_80 : i32
        %dma_start3A_82 = tpu.memref_slice %arg11[%mul3A_81] : memref<36864xf32, #tpu.memory_space<vmem>> -> memref<512xf32, #tpu.memory_space<vmem>>
        %dma_start3A_83 = tpu.memref_slice %arg10[%mul3A_79] : memref<36864xi32, #tpu.memory_space<vmem>> -> memref<512xi32, #tpu.memory_space<vmem>>
        %dma_start3A_84 = arith.constant 0 : i32
        %dma_start3A_85 = tpu.memref_slice %arg5[%dma_start3A_84] : memref<108000000xf32, #tpu.memory_space<hbm>> -> memref<108000000xf32, #tpu.memory_space<hbm>>
        tpu.enqueue_indirect_dma source(%dma_start3A_85 : memref<108000000xf32, #tpu.memory_space<hbm>>) target(%dma_start3A_82 : memref<512xf32, #tpu.memory_space<vmem>>) offsets(%dma_start3A_83 : memref<512xi32, #tpu.memory_space<vmem>>) semaphore(%arg12 : memref<!tpu.dma_semaphore, #tpu.memory_space<semaphore_mem>>)
        %mul3A_86 = arith.constant 8 : i32
        %mul3A_87 = arith.muli %scan3A_26, %mul3A_86 : i32
        %add3A_88 = arith.constant 5 : i32
        %add3A_89 = arith.addi %mul3A_87, %add3A_88 : i32
        %mul3A_90 = arith.constant 512 : i32
        %mul3A_91 = arith.muli %add3A_89, %mul3A_90 : i32
        %mul3A_92 = arith.constant 512 : i32
        %mul3A_93 = arith.muli %add3A_89, %mul3A_92 : i32
        %dma_start3A_94 = tpu.memref_slice %arg11[%mul3A_93] : memref<36864xf32, #tpu.memory_space<vmem>> -> memref<512xf32, #tpu.memory_space<vmem>>
        %dma_start3A_95 = tpu.memref_slice %arg10[%mul3A_91] : memref<36864xi32, #tpu.memory_space<vmem>> -> memref<512xi32, #tpu.memory_space<vmem>>
        %dma_start3A_96 = arith.constant 0 : i32
        %dma_start3A_97 = tpu.memref_slice %arg5[%dma_start3A_96] : memref<108000000xf32, #tpu.memory_space<hbm>> -> memref<108000000xf32, #tpu.memory_space<hbm>>
        tpu.enqueue_indirect_dma source(%dma_start3A_97 : memref<108000000xf32, #tpu.memory_space<hbm>>) target(%dma_start3A_94 : memref<512xf32, #tpu.memory_space<vmem>>) offsets(%dma_start3A_95 : memref<512xi32, #tpu.memory_space<vmem>>) semaphore(%arg12 : memref<!tpu.dma_semaphore, #tpu.memory_space<semaphore_mem>>)
        %mul3A_98 = arith.constant 8 : i32
        %mul3A_99 = arith.muli %scan3A_26, %mul3A_98 : i32
        %add3A_100 = arith.constant 6 : i32
        %add3A_101 = arith.addi %mul3A_99, %add3A_100 : i32
        %mul3A_102 = arith.constant 512 : i32
        %mul3A_103 = arith.muli %add3A_101, %mul3A_102 : i32
        %mul3A_104 = arith.constant 512 : i32
        %mul3A_105 = arith.muli %add3A_101, %mul3A_104 : i32
        %dma_start3A_106 = tpu.memref_slice %arg11[%mul3A_105] : memref<36864xf32, #tpu.memory_space<vmem>> -> memref<512xf32, #tpu.memory_space<vmem>>
        %dma_start3A_107 = tpu.memref_slice %arg10[%mul3A_103] : memref<36864xi32, #tpu.memory_space<vmem>> -> memref<512xi32, #tpu.memory_space<vmem>>
        %dma_start3A_108 = arith.constant 0 : i32
        %dma_start3A_109 = tpu.memref_slice %arg5[%dma_start3A_108] : memref<108000000xf32, #tpu.memory_space<hbm>> -> memref<108000000xf32, #tpu.memory_space<hbm>>
        tpu.enqueue_indirect_dma source(%dma_start3A_109 : memref<108000000xf32, #tpu.memory_space<hbm>>) target(%dma_start3A_106 : memref<512xf32, #tpu.memory_space<vmem>>) offsets(%dma_start3A_107 : memref<512xi32, #tpu.memory_space<vmem>>) semaphore(%arg12 : memref<!tpu.dma_semaphore, #tpu.memory_space<semaphore_mem>>)
        %mul3A_110 = arith.constant 8 : i32
        %mul3A_111 = arith.muli %scan3A_26, %mul3A_110 : i32
        %add3A_112 = arith.constant 7 : i32
        %add3A_113 = arith.addi %mul3A_111, %add3A_112 : i32
        %mul3A_114 = arith.constant 512 : i32
        %mul3A_115 = arith.muli %add3A_113, %mul3A_114 : i32
        %mul3A_116 = arith.constant 512 : i32
        %mul3A_117 = arith.muli %add3A_113, %mul3A_116 : i32
        %dma_start3A_118 = tpu.memref_slice %arg11[%mul3A_117] : memref<36864xf32, #tpu.memory_space<vmem>> -> memref<512xf32, #tpu.memory_space<vmem>>
        %dma_start3A_119 = tpu.memref_slice %arg10[%mul3A_115] : memref<36864xi32, #tpu.memory_space<vmem>> -> memref<512xi32, #tpu.memory_space<vmem>>
        %dma_start3A_120 = arith.constant 0 : i32
        %dma_start3A_121 = tpu.memref_slice %arg5[%dma_start3A_120] : memref<108000000xf32, #tpu.memory_space<hbm>> -> memref<108000000xf32, #tpu.memory_space<hbm>>
        tpu.enqueue_indirect_dma source(%dma_start3A_121 : memref<108000000xf32, #tpu.memory_space<hbm>>) target(%dma_start3A_118 : memref<512xf32, #tpu.memory_space<vmem>>) offsets(%dma_start3A_119 : memref<512xi32, #tpu.memory_space<vmem>>) semaphore(%arg12 : memref<!tpu.dma_semaphore, #tpu.memory_space<semaphore_mem>>)
        %dma_wait3A = tpu.memref_slice %arg11[%mul3A_34] : memref<36864xf32, #tpu.memory_space<vmem>> -> memref<512xf32, #tpu.memory_space<vmem>>
        %dma_wait3A_122 = tpu.memref_slice %arg10[%mul3A_32] : memref<36864xi32, #tpu.memory_space<vmem>> -> memref<512xi32, #tpu.memory_space<vmem>>
        %dma_wait3A_123 = arith.constant 0 : i32
        %dma_wait3A_124 = tpu.memref_slice %arg5[%dma_wait3A_123] : memref<108000000xf32, #tpu.memory_space<hbm>> -> memref<108000000xf32, #tpu.memory_space<hbm>>
        tpu.wait_indirect_dma semaphore(%arg12 : memref<!tpu.dma_semaphore, #tpu.memory_space<semaphore_mem>>) src(%dma_wait3A_124 : memref<108000000xf32, #tpu.memory_space<hbm>>) dst(%dma_wait3A : memref<512xf32, #tpu.memory_space<vmem>>)
        %dma_wait3A_125 = tpu.memref_slice %arg11[%mul3A_45] : memref<36864xf32, #tpu.memory_space<vmem>> -> memref<512xf32, #tpu.memory_space<vmem>>
        %dma_wait3A_126 = tpu.memref_slice %arg10[%mul3A_43] : memref<36864xi32, #tpu.memory_space<vmem>> -> memref<512xi32, #tpu.memory_space<vmem>>
        %dma_wait3A_127 = arith.constant 0 : i32
        %dma_wait3A_128 = tpu.memref_slice %arg5[%dma_wait3A_127] : memref<108000000xf32, #tpu.memory_space<hbm>> -> memref<108000000xf32, #tpu.memory_space<hbm>>
        tpu.wait_indirect_dma semaphore(%arg12 : memref<!tpu.dma_semaphore, #tpu.memory_space<semaphore_mem>>) src(%dma_wait3A_128 : memref<108000000xf32, #tpu.memory_space<hbm>>) dst(%dma_wait3A_125 : memref<512xf32, #tpu.memory_space<vmem>>)
        %dma_wait3A_129 = tpu.memref_slice %arg11[%mul3A_57] : memref<36864xf32, #tpu.memory_space<vmem>> -> memref<512xf32, #tpu.memory_space<vmem>>
        %dma_wait3A_130 = tpu.memref_slice %arg10[%mul3A_55] : memref<36864xi32, #tpu.memory_space<vmem>> -> memref<512xi32, #tpu.memory_space<vmem>>
        %dma_wait3A_131 = arith.constant 0 : i32
        %dma_wait3A_132 = tpu.memref_slice %arg5[%dma_wait3A_131] : memref<108000000xf32, #tpu.memory_space<hbm>> -> memref<108000000xf32, #tpu.memory_space<hbm>>
        tpu.wait_indirect_dma semaphore(%arg12 : memref<!tpu.dma_semaphore, #tpu.memory_space<semaphore_mem>>) src(%dma_wait3A_132 : memref<108000000xf32, #tpu.memory_space<hbm>>) dst(%dma_wait3A_129 : memref<512xf32, #tpu.memory_space<vmem>>)
        %dma_wait3A_133 = tpu.memref_slice %arg11[%mul3A_69] : memref<36864xf32, #tpu.memory_space<vmem>> -> memref<512xf32, #tpu.memory_space<vmem>>
        %dma_wait3A_134 = tpu.memref_slice %arg10[%mul3A_67] : memref<36864xi32, #tpu.memory_space<vmem>> -> memref<512xi32, #tpu.memory_space<vmem>>
        %dma_wait3A_135 = arith.constant 0 : i32
        %dma_wait3A_136 = tpu.memref_slice %arg5[%dma_wait3A_135] : memref<108000000xf32, #tpu.memory_space<hbm>> -> memref<108000000xf32, #tpu.memory_space<hbm>>
        tpu.wait_indirect_dma semaphore(%arg12 : memref<!tpu.dma_semaphore, #tpu.memory_space<semaphore_mem>>) src(%dma_wait3A_136 : memref<108000000xf32, #tpu.memory_space<hbm>>) dst(%dma_wait3A_133 : memref<512xf32, #tpu.memory_space<vmem>>)
        %dma_wait3A_137 = tpu.memref_slice %arg11[%mul3A_81] : memref<36864xf32, #tpu.memory_space<vmem>> -> memref<512xf32, #tpu.memory_space<vmem>>
        %dma_wait3A_138 = tpu.memref_slice %arg10[%mul3A_79] : memref<36864xi32, #tpu.memory_space<vmem>> -> memref<512xi32, #tpu.memory_space<vmem>>
        %dma_wait3A_139 = arith.constant 0 : i32
        %dma_wait3A_140 = tpu.memref_slice %arg5[%dma_wait3A_139] : memref<108000000xf32, #tpu.memory_space<hbm>> -> memref<108000000xf32, #tpu.memory_space<hbm>>
        tpu.wait_indirect_dma semaphore(%arg12 : memref<!tpu.dma_semaphore, #tpu.memory_space<semaphore_mem>>) src(%dma_wait3A_140 : memref<108000000xf32, #tpu.memory_space<hbm>>) dst(%dma_wait3A_137 : memref<512xf32, #tpu.memory_space<vmem>>)
        %dma_wait3A_141 = tpu.memref_slice %arg11[%mul3A_93] : memref<36864xf32, #tpu.memory_space<vmem>> -> memref<512xf32, #tpu.memory_space<vmem>>
        %dma_wait3A_142 = tpu.memref_slice %arg10[%mul3A_91] : memref<36864xi32, #tpu.memory_space<vmem>> -> memref<512xi32, #tpu.memory_space<vmem>>
        %dma_wait3A_143 = arith.constant 0 : i32
        %dma_wait3A_144 = tpu.memref_slice %arg5[%dma_wait3A_143] : memref<108000000xf32, #tpu.memory_space<hbm>> -> memref<108000000xf32, #tpu.memory_space<hbm>>
        tpu.wait_indirect_dma semaphore(%arg12 : memref<!tpu.dma_semaphore, #tpu.memory_space<semaphore_mem>>) src(%dma_wait3A_144 : memref<108000000xf32, #tpu.memory_space<hbm>>) dst(%dma_wait3A_141 : memref<512xf32, #tpu.memory_space<vmem>>)
        %dma_wait3A_145 = tpu.memref_slice %arg11[%mul3A_105] : memref<36864xf32, #tpu.memory_space<vmem>> -> memref<512xf32, #tpu.memory_space<vmem>>
        %dma_wait3A_146 = tpu.memref_slice %arg10[%mul3A_103] : memref<36864xi32, #tpu.memory_space<vmem>> -> memref<512xi32, #tpu.memory_space<vmem>>
        %dma_wait3A_147 = arith.constant 0 : i32
        %dma_wait3A_148 = tpu.memref_slice %arg5[%dma_wait3A_147] : memref<108000000xf32, #tpu.memory_space<hbm>> -> memref<108000000xf32, #tpu.memory_space<hbm>>
        tpu.wait_indirect_dma semaphore(%arg12 : memref<!tpu.dma_semaphore, #tpu.memory_space<semaphore_mem>>) src(%dma_wait3A_148 : memref<108000000xf32, #tpu.memory_space<hbm>>) dst(%dma_wait3A_145 : memref<512xf32, #tpu.memory_space<vmem>>)
        %dma_wait3A_149 = tpu.memref_slice %arg11[%mul3A_117] : memref<36864xf32, #tpu.memory_space<vmem>> -> memref<512xf32, #tpu.memory_space<vmem>>
        %dma_wait3A_150 = tpu.memref_slice %arg10[%mul3A_115] : memref<36864xi32, #tpu.memory_space<vmem>> -> memref<512xi32, #tpu.memory_space<vmem>>
        %dma_wait3A_151 = arith.constant 0 : i32
        %dma_wait3A_152 = tpu.memref_slice %arg5[%dma_wait3A_151] : memref<108000000xf32, #tpu.memory_space<hbm>> -> memref<108000000xf32, #tpu.memory_space<hbm>>
        tpu.wait_indirect_dma semaphore(%arg12 : memref<!tpu.dma_semaphore, #tpu.memory_space<semaphore_mem>>) src(%dma_wait3A_152 : memref<108000000xf32, #tpu.memory_space<hbm>>) dst(%dma_wait3A_149 : memref<512xf32, #tpu.memory_space<vmem>>)
      }
      %scan3A_23 = arith.constant 9 : i32
      %mul3A_24 = arith.constant 18 : i32
      %mul3A_25 = arith.muli %add3A_11, %mul3A_24 : i32
      "tpu.region"() ({
        %run_scoped3A = tpu.sem_alloc : memref<!tpu.dma_semaphore, #tpu.memory_space<semaphore_mem>>
        %dma_start3A = tpu.memref_slice %arg6[%mul3A_25] : memref<4718592xf32, #tpu.memory_space<hbm>> -> memref<36864xf32, #tpu.memory_space<hbm>>
        %dma_start3A_26 = tpu.memref_slice %arg6[%mul3A_25] : memref<4718592xf32, #tpu.memory_space<hbm>> -> memref<36864xf32, #tpu.memory_space<hbm>>
        tpu.enqueue_dma source(%arg11 : memref<36864xf32, #tpu.memory_space<vmem>>) target(%dma_start3A_26 : memref<36864xf32, #tpu.memory_space<hbm>>) target_semaphore(%run_scoped3A : memref<!tpu.dma_semaphore, #tpu.memory_space<semaphore_mem>>)
        %dma_wait3A = tpu.memref_slice %arg6[%mul3A_25] : memref<4718592xf32, #tpu.memory_space<hbm>> -> memref<36864xf32, #tpu.memory_space<hbm>>
        %dma_wait3A_27 = tpu.memref_slice %arg6[%mul3A_25] : memref<4718592xf32, #tpu.memory_space<hbm>> -> memref<36864xf32, #tpu.memory_space<hbm>>
        tpu.wait_dma2 semaphore(%run_scoped3A : memref<!tpu.dma_semaphore, #tpu.memory_space<semaphore_mem>>) src(%arg11 : memref<36864xf32, #tpu.memory_space<vmem>>) dst(%dma_wait3A_27 : memref<36864xf32, #tpu.memory_space<hbm>>)
        tpu.yield
      }) : () -> ()
    }
    %scan3A_7 = arith.constant 4 : i32
    return
  }
}

</mosaic_0001>

<sc_bundles>
// kernel: kernel.3.cloned.1.call-start
scs
__scs_entry_jumppad:
0x0: {  	(pc) =	sbr.rel $0x88, $3  }
0x1: {  	(tag) =	ssettag $0x0;
	lr =	simm.s32 $0x1  }
0x2: {  	[smem:$0x3F9F] =	sst lr;
	_ =	strace $0xD0000000  }
0x3: {  	_ = 	snop  }
0x4: {  	_ = 	snop  }
0x5: {  	_ = 	snop  }
0x6: {  	_ = 	snop  }
0x7: {  	_ = 	snop  }
__scs_overlays_trampoline_lowered:
0x8: {  	[smem:$0x3FAE] =	sst s0  }
0x9: {  	[smem:$0x3FAF] =	sst s1  }
0xa: {  	[smem:$0x3FB0] =	sst s2  }
0xb: {  	[smem:$0x3FB1] =	sst s3  }
0xc: {  	[smem:$0x3FB2] =	sst s4  }
0xd: {  	[smem:$0x3FB3] =	sst s5  }
0xe: {  	[smem:$0x3FB4] =	sst s6  }
0xf: {  	[smem:$0x3FB5] =	sst s7  }
0x10: {  	[smem:$0x3FB6] =	sst s8  }
0x11: {  	[smem:$0x3FB7] =	sst s9;
	s0 =	simm.s32 @!p0 $0x0  }
0x12: {  	s1 =	sld [smem:$0x3F9D];
	s0 =	simm.s32 @p0 $0x1  }
0x13: {  	[smem:$0x3FB8] =	sst s0;
	s0 =	simm.s32 @!p1 $0x0  }
0x14: {  	s2 =	sld [smem:$0x3F9C];
	s0 =	simm.s32 @p1 $0x1  }
0x15: {  	[smem:$0x3FB9] =	sst s0;
	s0 =	simm.s32 @!p2 $0x0  }
0x16: {  	s3 =	sld [smem:$0x3FDB];
	s0 =	simm.s32 @p2 $0x1  }
0x17: {  	s4 =	simm.s32 $0x1BF5;
	[smem:$0x3FBB] =	sst s0  }
0x18: {  	s0 =	sld [smem:$0x3F9E];
	_ =	swait.ge [sflag:s4], $0x0  }
0x19: {  	s7 =	sld [smem:$0x3F9F]  }
0x1a: {  	s8 =	sadd.s32 $0xFFFFE003, lr  }
0x1b: {  	s9 =	sadd.s32 $0xFFFFFEF7, lr;
	s5 =	simm.s32 $0xFFFFFFFF;
	p2 =	slt.u32 s8, $0xFFFFF086  }
0x1c: {  	p1 =	slt.u32 s9, $0xF7A;
	s5 =	simm.s32 @!p2 $0x0  }
0x1d: {  	s5 =	simm.s32 @p1 $0x1;
	p0 =	seq.s32 s7, s2  }
0x1e: {  	s7 =	smul.u32 @!p0 $0xF7A, s2;
	p2 =	seq.s32 @!p0 s5, $0x0  }
0x1f: {  	s9 =	smul.u32 $0xF7A, s1;
	s8 =	simm.s32 @!p0 $0x1BF5;
	p2 =	por !p2, p0  }
0x20: {  	[sflag:s8] =	ssyncset.s32 @!p0 $0xFFFFF086;
	s6 =	sadd.s32 @!p0 s3, s7;
	s7 =	simm.s32 @!p0 $0x108  }
0x21: {  	s3 =	sadd.s32 s3, s9;
	s6 =	sadd.s32 @!p0 $0x88, s6;
	s7 =	simm.s32 @p2 $0x1082  }
0x22: {  	[simem:s7], [sflag:s8] =	dma.local @!p0 [hbm:s6], $0xF7A  }
0x23: {  	s9 =	sor.u32 $0xD0000000, s2;
	s6 =	simm.s32 $0x108;
	_ =	swait.ge @!p0 [sflag:s8], $0x0  }
0x24: {  	s3 =	sadd.s32 $0x88, s3;
	s6 =	simm.s32 @!p1 $0x1082;
	[sflag:s4] =	ssyncset.s32 $0xFFFFF086  }
0x25: {  	[simem:s6], [sflag:s4] =	dma.local [hbm:s3], $0xF7A  }
0x26: {  	[smem:$0x3F9F] =	sst s1;
	(tag) =	ssettag s2;
	_ =	strace s9  }
0x27: {  	s1 =	sld [smem:$0x3FAF]  }
0x28: {  	s2 =	sld [smem:$0x3FB0]  }
0x29: {  	s4 =	sld [smem:$0x3FB2]  }
0x2a: {  	p0 =	seq.s32 s5, $0x0;
	s5 =	sld [smem:$0x3FB3]  }
0x2b: {  	s6 =	sld [smem:$0x3FB4]  }
0x2c: {  	s7 =	sld [smem:$0x3FB5]  }
0x2d: {  	s3 =	simm.s32 $0x108;
	s8 =	sld [smem:$0x3FB6]  }
0x2e: {  	s3 =	simm.s32 @!p0 $0x1082;
	s9 =	sld [smem:$0x3FB7]  }
0x2f: {  	lr =	sadd.s32 s0, s3;
	s0 =	sld [smem:$0x3FAE]  }
0x30: {  	s3 =	sld [smem:$0x3FB1]  }
0x31: {  	[smem:$0x3FBA] =	sst s10  }
0x32: {  	s10 =	sld [smem:$0x3FB8];
	_ =	sdelay $0x3  }
0x33: {  	p0 =	seq.s32 s10, $0x1;
	s10 =	sld [smem:$0x3FBA];
	_ =	sdelay $0x3  }
0x34: {  	[smem:$0x3FBA] =	sst s10  }
0x35: {  	s10 =	sld [smem:$0x3FB9];
	_ =	sdelay $0x3  }
0x36: {  	p1 =	seq.s32 s10, $0x1;
	s10 =	sld [smem:$0x3FBA];
	_ =	sdelay $0x3  }
0x37: {  	[smem:$0x3FBA] =	sst s10  }
0x38: {  	s10 =	sld [smem:$0x3FBB]  }
0x39: {  	_ = 	snop;
	(pc) =	sbr.ind lr, $3  }
0x3a: {  	_ = 	snop  }
0x3b: {  	_ = 	snop  }
0x3c: {  	p2 =	seq.s32 s10, $0x1;
	s10 =	sld [smem:$0x3FBA]  }
0x3d: {  	_ =	shalt  }
0x3e: {  	_ =	shalt  }
0x3f: {  	_ =	shalt  }
0x40: {  	_ =	shalt  }
0x41: {  	_ =	shalt  }
0x42: {  	_ =	shalt  }
0x43: {  	_ =	shalt  }
0x44: {  	_ =	shalt  }
0x45: {  	_ =	shalt  }
0x46: {  	_ =	shalt  }
0x47: {  	_ =	shalt  }
0x48: {  	_ =	shalt  }
0x49: {  	_ =	shalt  }
0x4a: {  	_ =	shalt  }
0x4b: {  	_ =	shalt  }
0x4c: {  	_ =	shalt  }
0x4d: {  	_ =	shalt  }
0x4e: {  	_ =	shalt  }
0x4f: {  	_ =	shalt  }
0x50: {  	_ =	shalt  }
0x51: {  	_ =	shalt  }
0x52: {  	_ =	shalt  }
0x53: {  	_ =	shalt  }
0x54: {  	_ =	shalt  }
0x55: {  	_ =	shalt  }
0x56: {  	_ =	shalt  }
0x57: {  	_ =	shalt  }
0x58: {  	_ =	shalt  }
0x59: {  	_ =	shalt  }
0x5a: {  	_ =	shalt  }
0x5b: {  	_ =	shalt  }
0x5c: {  	_ =	shalt  }
0x5d: {  	_ =	shalt  }
0x5e: {  	_ =	shalt  }
0x5f: {  	_ =	shalt  }
0x60: {  	_ =	shalt  }
0x61: {  	_ =	shalt  }
0x62: {  	_ =	shalt  }
0x63: {  	_ =	shalt  }
0x64: {  	_ =	shalt  }
0x65: {  	_ =	shalt  }
0x66: {  	_ =	shalt  }
0x67: {  	_ =	shalt  }
0x68: {  	_ =	shalt  }
0x69: {  	_ =	shalt  }
0x6a: {  	_ =	shalt  }
0x6b: {  	_ =	shalt  }
0x6c: {  	_ =	shalt  }
0x6d: {  	_ =	shalt  }
0x6e: {  	_ =	shalt  }
0x6f: {  	_ =	shalt  }
0x70: {  	_ =	shalt  }
0x71: {  	_ =	shalt  }
0x72: {  	_ =	shalt  }
0x73: {  	_ =	shalt  }
0x74: {  	_ =	shalt  }
0x75: {  	_ =	shalt  }
0x76: {  	_ =	shalt  }
0x77: {  	_ =	shalt  }
0x78: {  	_ =	shalt  }
0x79: {  	_ =	shalt  }
0x7a: {  	_ =	shalt  }
0x7b: {  	_ =	shalt  }
0x7c: {  	_ =	shalt  }
0x7d: {  	_ =	shalt  }
0x7e: {  	_ =	shalt  }
0x7f: {  	_ =	shalt  }
0x80: {  	_ =	shalt  }
0x81: {  	_ =	shalt  }
0x82: {  	_ =	shalt  }
0x83: {  	_ =	shalt  }
0x84: {  	_ =	shalt  }
0x85: {  	_ =	shalt  }
0x86: {  	_ =	shalt  }
0x87: {  	_ =	shalt  }
.Lfunc_end0:
.L_simem_size_0:
called_computation_lowered:
.L_overlay_start_0:
0x88: {  	s2 =	sld [smem:$0x3FD9]  }
0x89: {  	s3 =	sld [smem:$0x3FFE];
	_ =	sdelay $0x1  }
0x8a: {  	s1 =	srdreg.scid  }
0x8b: {  	s0 =	sand.u32 $0x1, s1  }
0x8c: {  	s17 =	sshll.u32 s0, $0xA;
	s2 =	sadd.s32 s3, s2  }
0x8d: {  	s2 =	sadd.s32 s2, s17  }
0x8e: {  	[smem:$0x3FC6] =	sst s2  }
0x8f: {  	_ = 	snop  }
0x90: {  	s2 =	sld [smem:$0x3FD0];
	(tm) =	ssettm $0x1  }
0x91: {  	s18 =	sld [smem:$0x3FFB];
	_ =	sdelay $0x3  }
0x92: {  	_ =	strace s18  }
0x93: {  	s3 =	sld [smem:$0x3FFC];
	_ =	sdelay $0x3  }
0x94: {  	_ =	strace s3  }
0x95: {  	s3 =	sld [smem:$0x3FFD];
	_ =	sdelay $0x3  }
0x96: {  	_ =	strace s3  }
0x97: {  	_ =	strace $0x8FFFFFFF  }
0x98: {  	s19 =	sld [smem:$0x3FDB];
	_ =	sdelay $0x1  }
0x99: {  	s4 =	simm.s32 $_scs_section_size  }
0x9a: {  	s5 =	simm.s32 $_size__tile_overlayer_lowered;
	s6 =	simm.s32 $_tile_overlayer_lowered  }
0x9b: {  	s22 =	simm.s32 $0x1BFF;
	s21 =	sshll.u32 s6, $0x1;
	s3 =	sadd.s32 s4, s19  }
0x9c: {  	s7 =	simm.s32 $0x0;
	s20 =	sshll.u32 s5, $0x1;
	s5 =	sadd.s32 s21, s3  }
0x9d: {  	[timem:s7], [sflag:s22] =	dma.local [hbm:s5], s20  }
0x9e: {  	_ =	swait.ge [sflag:s22], s20  }
0x9f: {  	s4 =	ssub.s32 $0x0, s20;
	[sflag:s22] =	ssyncset.done $0x0  }
0xa0: {  	[sflag:s22] =	ssyncadd.s32 s4;
	_ =	sdelay $0x1  }
0xa1: {  	s23 =	simm.s32 $0x1B8B  }
0xa2: {  	_ =	swait.ge [sflag:s23], $0x1  }
0xa3: {  	[sflag:s23] =	ssyncset.done $0x0  }
0xa4: {  	s25 =	simm.s32 $0x1B8E;
	s24 =	sld [smem:$0x3FFE];
	[sflag:s23] =	ssyncadd.s32 $0xFFFFFFFF  }
0xa5: {  	s26 =	simm.s32 $execute0_lowered;
	[smem:$0x3FD2] =	sst s25  }
0xa6: {  	s5 =	sshll.u32 s26, $0x1;
	_ =	strace $0x80000046;
	[dreg:$0x1] =	wrdreg $0xFFFFFFFF  }
0xa7: {  	s28 =	simm.s32 $_size_execute0_lowered;
	s3 =	sadd.s32 s3, s5;
	[dreg:$0x0] =	wrdreg $0x0  }
0xa8: {  	s5 =	sshll.u32 s28, $0x1;
	[dreg:$0x2] =	wrdreg s3  }
0xa9: {  	[dreg:$0x3] =	wrdreg s5  }
0xaa: {  	[dreg:$0x4] =	wrdreg $0xC0  }
0xab: {  	_ =	task [dreg:s7], $0x5FFFF  }
0xac: {  	[dreg:$0x1] =	wrdreg $0xFFFFFFFF  }
0xad: {  	[dreg:$0x0] =	wrdreg $0x60  }
0xae: {  	[dreg:$0x2] =	wrdreg s24  }
0xaf: {  	[dreg:$0x3] =	wrdreg s2  }
0xb0: {  	[dreg:$0x4] =	wrdreg $0x9  }
0xb1: {  	_ =	task.clear_ibuf [dreg:s7], $0x5FFFF;
	_ =	strace $0x90000046  }
0xb2: {  	s29 =	simm.s32 $0x9;
	_ =	strace $0x80000048  }
0xb3: {  	_ =	swait.ge [sflag:s29], $0x1  }
0xb4: {  	[sflag:s29] =	ssyncadd.s32 $0xFFFFFFFF  }
0xb5: {  	_ =	strace $0x90000048  }
0xb6: {  	_ =	sfence  }
0xb7: {  	s30 =	sld [smem:$0x0];
	_ =	sdelay $0x2  }
0xb8: {  	s31 =	sshll.u32 s1, $0xD;
	s1 =	sshrl.u32 s1, $0x2  }
0xb9: {  	s3 =	sand.u32 $0x4000, s31;
	s1 =	sadd.s32 s1, s30  }
0xba: {  	s0 =	sor.u32 s3, s0;
	s1 =	sshll.u32 s1, $0x11  }
0xbb: {  	s0 =	sor.u32 s1, s0  }
0xbc: {  	s0 =	sadd.s32 $0x8F2B, s0  }
0xbd: {  	[sflag:s0] =	ssyncadd.remote.s32 $0x1  }
0xbe: {  	_ =	sfence.sel $0xFFFF  }
0xbf: {  	[dreg:$0x0] =	wrdreg $0xFFFFFFFF;
	(pc) =	sbr.abs _section_cstart, $3  }
0xc0: {  	[dreg:$0x1] =	wrdreg $0xFFFFFFFF  }
0xc1: {  	_ =	task.clear_ibuf [dreg:s7], $0x2FFFF;
	_ =	strace $0x9FFFFFFF  }
0xc2: {  	(tm) =	ssettm $0x7FFFFFFF  }
0xc3: {  	_ =	shalt  }
tec
execute0_lowered:
.L_overlay_start_1:
0x0: {  	(tag) =	ssettag $0x1  }
0x1: {  	v0 =	vlaneseq.u32  }
0x2: {  	v5 =	vimm.s32 $0x60402;
	v7 =	vimm.s32 $0x1070503;
	v9 =	vimm.s32 $0x2000604  }
0x3: {  	s7 =	rddreg [dreg:$0x0];
	v11 =	vimm.s32 $0x3010705;
	v13 =	vimm.s32 $0x4020006;
	v15 =	vimm.s32 $0x5030107  }
0x4: {  	s1 =	rddreg [dreg:$0x1];
	v1 =	vand.u32 $0x3, v0;
	v0 =	vmul.u32 $0x12, v0;
	v5 =	vunpack.c.0.s8.s32 v5  }
0x5: {  	s0 =	rddreg [dreg:$0x2];
	s2 =	simm.s32 $0x0;
	s3 =	srdreg.scid;
	v7 =	vunpack.c.0.s8.s32 v7;
	v9 =	vunpack.c.0.s8.s32 v9;
	v11 =	vunpack.c.0.s8.s32 v11  }
0x6: {  	s5 =	stileid.u32;
	s11 =	simm.s32 $0x1800;
	s12 =	simm.s32 $0x200;
	v13 =	vunpack.c.0.s8.s32 v13;
	v15 =	vunpack.c.0.s8.s32 v15;
	v1 =	vmul.u32 $0x2, v1  }
0x7: {  	s13 =	simm.s32 $0x1;
	s14 =	simm.s32 $0xA800;
	s15 =	simm.s32 $0x0;
	v2 =	vor.u32 $0x1, v0;
	v4 =	vadd.s32 $0x2, v0;
	v6 =	vadd.s32 $0x3, v0  }
0x8: {  	[smem:$0x7FF] =	sst s2;
	s8 =	sand.u32 $0x1, s3;
	s3 =	sadd.s32 $0x10600, s7;
	v8 =	vadd.s32 $0x4, v0;
	v10 =	vadd.s32 $0x5, v0;
	v12 =	vadd.s32 $0x6, v0  }
0x9: {  	s4 =	sadd.s32 $0x8600, s7;
	s6 =	sadd.s32 $0x600, s7;
	s9 =	ssub.s32 $0x2, s8;
	v14 =	vadd.s32 $0x7, v0;
	v16 =	vadd.s32 $0x8, v0;
	v17 =	vadd.s32 $0x9, v0  }
0xa: {  	s31 =	sshll.u32 s5, $0xE;
	s7 =	sadd.s32 $0x18600, s7;
	s10 =	sshrl.u32 s9, $0x1;
	v18 =	vadd.s32 $0xA, v0;
	v19 =	vadd.s32 $0xB, v0;
	v20 =	vadd.s32 $0xC, v0  }
0xb: {  	_ =	strace $0x80000047;
	s8 =	sshll.u32 s8, $0xD;
	v21 =	vadd.s32 $0xD, v0;
	v22 =	vadd.s32 $0xE, v0;
	v23 =	vadd.s32 $0xF, v0;
	s9 =	ssub.s32 s9, s10  }
0xc: {  	s8 =	sor.u32 s8, s31;
	v24 =	vadd.s32 $0x10, v0;
	v25 =	vadd.s32 $0x11, v0;
	v3 =	vor.u32 $0x1, v1;
	s10 =	simm.s32 $0x2;
	s9 =	smax.u32 s9, $0x1  }
.LBB2_1:
0xd: {  	s16 =	simm.s32 $0x0  }
.LBB2_2:
0xe: {  	s17 =	sshll.u32 s16, $0xB  }
0xf: {  	s17 =	sadd.s32 s8, s17  }
0x10: {  	s18 =	sshrl.u32 s17, $0x3  }
0x11: {  	s20 =	simm.s32 $0x0;
	s19 =	sadd.s32 s3, s18  }
0x12: {  	[tilespmem:s20], [sflag:$0x2] =	stream.linear.gather [hbm4b:s19+s20], $0x800, $0x38;
	[tilespmem:$0x13800] =	vst v63  }
0x13: {  	_ =	swait.ge [sflag:s10], $0x800  }
0x14: {  	[sflag:s10] =	ssyncset.done $0x0  }
0x15: {  	s21 =	simm.s32 $0x800;
	s30 =	sadd.s32 s4, s18;
	[sflag:s10] =	ssyncadd.s32 $0xFFFFF800  }
0x16: {  	v26 =	vmov s20;
	[tilespmem:s21], [sflag:$0x2] =	stream.linear.gather [hbm4b:s30+s20], $0x800, $0x38;
	[tilespmem:$0x13800] =	vst v63  }
0x17: {  	v26 =	vmul.u32 $0x12, v26;
	_ =	swait.ge [sflag:s10], $0x800  }
0x18: {  	[sflag:s10] =	ssyncset.done $0x0  }
0x19: {  	s31 =	simm.s32 $0x1000;
	s18 =	sadd.s32 s6, s18;
	v26 =	vbroadcast v26, $0x0;
	[sflag:s10] =	ssyncadd.s32 $0xFFFFF800  }
0x1a: {  	[tilespmem:s31], [sflag:$0x2] =	stream.linear.gather [hbm4b:s18+s20], $0x800, $0x38;
	[tilespmem:$0x13800] =	vst v63  }
0x1b: {  	v27 =	vadd.s32 v2, v26;
	v28 =	vadd.s32 v8, v26;
	_ =	swait.ge [sflag:s10], $0x800  }
0x1c: {  	v29 =	vadd.s32 v0, v26;
	v30 =	vadd.s32 v16, v26;
	v31 =	vadd.s32 v4, v26;
	[sflag:s10] =	ssyncset.done $0x0  }
0x1d: {  	v37 =	vadd.s32 v17, v26;
	v38 =	vadd.s32 v6, v26;
	v40 =	vadd.s32 v21, v26;
	[sflag:s10] =	ssyncadd.s32 $0xFFFFF800  }
0x1e: {  	v41 =	vadd.s32 v23, v26;
	v54 =	vadd.s32 v14, v26;
	v29 =	vand.u32 $0xFFFFFFF8, v29;
	v33 =	vld [tilespmem:s21+$0x0]  }
0x1f: {  	v27 =	vand.u32 $0xFFFFFFF8, v27;
	v45 =	vand.u32 $0xFFFFFFF8, v30;
	v32 =	vor.u32 v1, v29;
	v29 =	vld [tilespmem:s31+$0x0]  }
0x20: {  	v31 =	vand.u32 $0xFFFFFFF8, v31;
	v36 =	vand.u32 $0xFFFFFFF8, v28;
	v28 =	vadd.s32 v22, v26;
	v34 =	vld [tilespmem:s20+$0x0]  }
0x21: {  	v42 =	vand.u32 $0xFFFFFFF8, v37;
	v55 =	vand.u32 $0xFFFFFFF8, v38;
	v56 =	vand.u32 $0xFFFFFFF8, v54  }
0x22: {  	v30 =	vor.u32 v3, v27;
	v27 =	vadd.s32 v10, v26;
	v36 =	vor.u32 v9, v36  }
0x23: {  	v42 =	vor.u32 v3, v42;
	v35 =	vand.u32 $0xFFFFFFF8, v27;
	v27 =	vadd.s32 v12, v26  }
0x24: {  	v39 =	vand.u32 $0xFFFFFFF8, v27;
	v33 =	vmul.f32 $2.990000000e+02, v33;
	v29 =	vmul.f32 $2.990000000e+02, v29  }
0x25: {  	v27 =	vand.u32 $0xFFFFFFF8, v28;
	v28 =	vor.u32 v11, v35;
	v43 =	vmul.f32 $5.990000000e+02, v34  }
0x26: {  	v35 =	vor.u32 v5, v31;
	v33 =	vadd.f32 $5.000000000e-01, v33;
	v31 =	vadd.f32 $5.000000000e-01, v29  }
0x27: {  	v45 =	vor.u32 v1, v45;
	v34 =	vor.u32 v7, v55;
	v57 =	vadd.f32 $5.000000000e-01, v43  }
0x28: {  	v29 =	vand.u32 $0xFFFFFFF8, v40;
	v58 =	vtrunc.f32 v33;
	v31 =	vtrunc.f32 v31  }
0x29: {  	v40 =	vadd.s32 v20, v26;
	v37 =	vtrunc.f32 v57;
	v59 =	vcvt.f32.s32 v58  }
0x2a: {  	v33 =	vor.u32 v15, v56;
	v60 =	vcvt.f32.s32 v31;
	v61 =	vcvt.f32.s32 v37  }
0x2b: {  	v31 =	vand.u32 $0xFFFFFFF8, v41;
	v37 =	vor.u32 v13, v39;
	vm0 =	vgt.s32 v59, $0x0  }
0x2c: {  	vm15 =	vgt.s32 v60, $0x0;
	vm1 =	vgt.s32 v61, $0x0;
	v38 =	vnsel vm0, $0x0, v59  }
0x2d: {  	v43 =	vnsel vm15, $0x0, v60;
	v41 =	vnsel vm1, $0x0, v61;
	v62 =	vmin.u32 v38, $0x12B  }
0x2e: {  	v46 =	vmin.u32 v43, $0x12B;
	v44 =	vmin.u32 v38, $0x12A;
	v47 =	vmax.u32 v62, $0x1  }
0x2f: {  	v49 =	vmin.u32 v43, $0x12A;
	v63 =	vmax.u32 v46, $0x1;
	v47 =	vmul.u32 $0x57E40, v47  }
0x30: {  	v43 =	vmin.u32 v41, $0x257;
	v39 =	vmul.u32 $0x57E40, v62;
	v48 =	vmul.u32 $0x4B0, v63  }
0x31: {  	v38 =	vmul.u32 $0x4B0, v46;
	v49 =	vmul.u32 $0x4B0, v49;
	v47 =	vadd.s32 v47, v43  }
0x32: {  	s19 =	simm.s32 $0x10;
	v46 =	vadd.s32 v43, v39;
	v41 =	vadd.s32 $0xFFFFFB50, v48;
	v47 =	vadd.s32 $0xFFFA81C0, v47  }
0x33: {  	s18 =	simm.s32 $0x10;
	s20 =	simm.s32 $0x810;
	s21 =	simm.s32 $0x1010;
	v39 =	vadd.s32 $0x4B0, v49;
	v48 =	vadd.s32 v18, v26;
	v49 =	vadd.s32 v41, v47  }
.LBB2_3:
0x34: {  	p0 =	sne.s32 s18, $0x7F0;
	[tilespmem:v32+s11+$0x0] =	vst.idx.msk $0xffff, v49;
	v32 =	vadd.s32 $0x258, v49;
	v48 =	vand.u32 $0xFFFFFFF8, v48;
	v49 =	vadd.s32 v19, v26;
	s22 =	smov.u32 s18;
	s18 =	sadd.s32 $0x10, s18  }
0x35: {  	[tilespmem:v30+s11+$0x0] =	vst.idx.msk $0xffff, v32;
	v30 =	vadd.s32 v38, v47;
	v32 =	vor.u32 v5, v48;
	v48 =	vand.u32 $0xFFFFFFF8, v49  }
0x36: {  	v40 =	vand.u32 $0xFFFFFFF8, v40;
	[tilespmem:v35+s11+$0x0] =	vst.idx.msk $0xffff, v30;
	v30 =	vadd.s32 $0x258, v30;
	v35 =	vor.u32 v7, v48  }
0x37: {  	v40 =	vor.u32 v9, v40;
	[tilespmem:v34+s11+$0x0] =	vst.idx.msk $0xffff, v30;
	v30 =	vadd.s32 v39, v47;
	v34 =	vmul.u32 $0x57E40, v44  }
0x38: {  	v44 =	vadd.s32 v38, v46;
	[tilespmem:v36+s11+$0x0] =	vst.idx.msk $0xffff, v30;
	v30 =	vadd.s32 $0x258, v30;
	v36 =	vadd.s32 v46, v41  }
0x39: {  	[tilespmem:v28+s11+$0x0] =	vst.idx.msk $0xffff, v30;
	v28 =	vadd.s32 v46, v39;
	v30 =	vadd.s32 v34, v43  }
0x3a: {  	v34 =	vadd.s32 $0x258, v36;
	[tilespmem:v37+s11+$0x0] =	vst.idx.msk $0xffff, v36;
	v30 =	vadd.s32 $0x57E40, v30;
	v36 =	vadd.s32 v24, v26  }
0x3b: {  	[tilespmem:v33+s11+$0x0] =	vst.idx.msk $0xffff, v34;
	v33 =	vadd.s32 v30, v41;
	v34 =	vadd.s32 v38, v30;
	v36 =	vand.u32 $0xFFFFFFF8, v36  }
0x3c: {  	v29 =	vor.u32 v11, v29;
	v37 =	vadd.s32 $0x258, v44;
	v30 =	vadd.s32 v39, v30;
	[tilespmem:v45+s11+$0x0] =	vst.idx.msk $0xffff, v44  }
0x3d: {  	v27 =	vor.u32 v13, v27;
	v26 =	vadd.s32 v25, v26;
	[tilespmem:v42+s11+$0x0] =	vst.idx.msk $0xffff, v37  }
0x3e: {  	v31 =	vor.u32 v15, v31;
	v37 =	vmov s22;
	[tilespmem:v32+s11+$0x0] =	vst.idx.msk $0xffff, v28;
	v28 =	vadd.s32 $0x258, v28  }
0x3f: {  	v26 =	vand.u32 $0xFFFFFFF8, v26;
	v32 =	vmul.u32 $0x12, v37;
	[tilespmem:v35+s11+$0x0] =	vst.idx.msk $0xffff, v28;
	v28 =	vor.u32 v1, v36  }
0x40: {  	v35 =	vor.u32 v3, v26;
	[tilespmem:v40+s11+$0x0] =	vst.idx.msk $0xffff, v33;
	v33 =	vadd.s32 $0x258, v33  }
0x41: {  	v26 =	vbroadcast v32, $0x0;
	[tilespmem:v29+s11+$0x0] =	vst.idx.msk $0xffff, v33  }
0x42: {  	[tilespmem:v27+s11+$0x0] =	vst.idx.msk $0xffff, v34;
	v27 =	vadd.s32 $0x258, v34  }
0x43: {  	v29 =	vadd.s32 v2, v26;
	v33 =	vadd.s32 v8, v26;
	[tilespmem:v31+s11+$0x0] =	vst.idx.msk $0xffff, v27;
	v27 =	vadd.s32 $0x258, v30  }
0x44: {  	v32 =	vadd.s32 v16, v26;
	v31 =	vadd.s32 v0, v26;
	v29 =	vand.u32 $0xFFFFFFF8, v29;
	[tilespmem:v28+s11+$0x0] =	vst.idx.msk $0xffff, v30  }
0x45: {  	v45 =	vand.u32 $0xFFFFFFF8, v32;
	v28 =	vand.u32 $0xFFFFFFF8, v31;
	v31 =	vadd.s32 v4, v26;
	[tilespmem:v35+s11+$0x0] =	vst.idx.msk $0xffff, v27  }
0x46: {  	v30 =	vor.u32 v3, v29;
	v32 =	vor.u32 v1, v28;
	v27 =	vadd.s32 v10, v26;
	v34 =	vld [tilespmem:s20+$0x0]  }
0x47: {  	v36 =	vand.u32 $0xFFFFFFF8, v33;
	v31 =	vand.u32 $0xFFFFFFF8, v31;
	v28 =	vadd.s32 v22, v26;
	v29 =	vld [tilespmem:s21+$0x0]  }
0x48: {  	v37 =	vadd.s32 v17, v26;
	v35 =	vand.u32 $0xFFFFFFF8, v27;
	v27 =	vadd.s32 v12, v26;
	v33 =	vld [tilespmem:s19+$0x0]  }
0x49: {  	v38 =	vadd.s32 v6, v26;
	v39 =	vand.u32 $0xFFFFFFF8, v27;
	v27 =	vand.u32 $0xFFFFFFF8, v28  }
0x4a: {  	v40 =	vadd.s32 v21, v26;
	v41 =	vadd.s32 v23, v26;
	v28 =	vor.u32 v11, v35  }
0x4b: {  	v42 =	vand.u32 $0xFFFFFFF8, v37;
	v35 =	vadd.s32 v14, v26;
	v34 =	vmul.f32 $2.990000000e+02, v34  }
0x4c: {  	v37 =	vand.u32 $0xFFFFFFF8, v38;
	v38 =	vand.u32 $0xFFFFFFF8, v35;
	v29 =	vmul.f32 $2.990000000e+02, v29  }
0x4d: {  	v35 =	vor.u32 v5, v31;
	v33 =	vmul.f32 $5.990000000e+02, v33;
	v43 =	vadd.f32 $5.000000000e-01, v34  }
0x4e: {  	v34 =	vor.u32 v7, v37;
	v31 =	vadd.f32 $5.000000000e-01, v29;
	v29 =	vand.u32 $0xFFFFFFF8, v40  }
0x4f: {  	v37 =	vadd.f32 $5.000000000e-01, v33;
	v40 =	vtrunc.f32 v43;
	v33 =	vor.u32 v15, v38  }
0x50: {  	v36 =	vor.u32 v9, v36;
	v38 =	vcvt.f32.s32 v40;
	v31 =	vtrunc.f32 v31  }
0x51: {  	v37 =	vtrunc.f32 v37;
	v43 =	vcvt.f32.s32 v31;
	v31 =	vand.u32 $0xFFFFFFF8, v41  }
0x52: {  	v40 =	vadd.s32 v20, v26;
	v41 =	vcvt.f32.s32 v37;
	vm0 =	vgt.s32 v38, $0x0  }
0x53: {  	v37 =	vor.u32 v13, v39;
	v38 =	vnsel vm0, $0x0, v38;
	vm0 =	vgt.s32 v43, $0x0  }
0x54: {  	vm1 =	vgt.s32 v41, $0x0;
	v39 =	vmin.u32 v38, $0x12B;
	v43 =	vnsel vm0, $0x0, v43  }
0x55: {  	v44 =	vmin.u32 v38, $0x12A;
	v46 =	vmin.u32 v43, $0x12B;
	v47 =	vmax.u32 v39, $0x1  }
0x56: {  	v39 =	vmul.u32 $0x57E40, v39;
	v47 =	vmul.u32 $0x57E40, v47;
	v38 =	vmax.u32 v46, $0x1  }
.Ltmp0:
0x57: {  	v41 =	vnsel vm1, $0x0, v41;
	v49 =	vmin.u32 v43, $0x12A;
	v48 =	vmul.u32 $0x4B0, v38;
	(pc) =	sbr.rel @p0 .LBB2_3-.Ltmp0, $4  }
0x58: {  	v43 =	vmin.u32 v41, $0x257;
	v49 =	vmul.u32 $0x4B0, v49;
	v38 =	vmul.u32 $0x4B0, v46  }
0x59: {  	v46 =	vadd.s32 v43, v39;
	v47 =	vadd.s32 v47, v43;
	v41 =	vadd.s32 $0xFFFFFB50, v48  }
0x5a: {  	v42 =	vor.u32 v3, v42;
	v39 =	vadd.s32 $0x4B0, v49;
	v47 =	vadd.s32 $0xFFFA81C0, v47  }
0x5b: {  	v45 =	vor.u32 v1, v45;
	s20 =	sadd.s32 $0x10, s20;
	s21 =	sadd.s32 $0x10, s21;
	s19 =	sadd.s32 $0x10, s19;
	v48 =	vadd.s32 v18, v26;
	v49 =	vadd.s32 v41, v47  }
0x5c: {  	_ =	sdelay $0x3  }
0x5d: {  	[tilespmem:v32+s11+$0x0] =	vst.idx.msk $0xffff, v49;
	v60 =	vadd.s32 $0x258, v49  }
0x5e: {  	v61 =	vadd.s32 v38, v47;
	[tilespmem:v30+s11+$0x0] =	vst.idx.msk $0xffff, v60  }
0x5f: {  	v62 =	vadd.s32 v19, v26;
	v30 =	vadd.s32 $0x258, v61;
	[tilespmem:v35+s11+$0x0] =	vst.idx.msk $0xffff, v61  }
0x60: {  	v63 =	vand.u32 $0xFFFFFFF8, v48;
	v47 =	vadd.s32 v39, v47;
	v49 =	vand.u32 $0xFFFFFFF8, v40;
	[tilespmem:v34+s11+$0x0] =	vst.idx.msk $0xffff, v30  }
0x61: {  	v51 =	vadd.s32 v46, v41;
	v53 =	vadd.s32 v38, v46;
	v30 =	vadd.s32 $0x258, v47;
	[tilespmem:v36+s11+$0x0] =	vst.idx.msk $0xffff, v47  }
0x62: {  	v55 =	vadd.s32 v46, v39;
	v32 =	vand.u32 $0xFFFFFFF8, v62;
	v48 =	vor.u32 v5, v63;
	[tilespmem:v28+s11+$0x0] =	vst.idx.msk $0xffff, v30  }
0x63: {  	v56 =	vadd.s32 v24, v26;
	v54 =	vadd.s32 $0x258, v51;
	v32 =	vor.u32 v7, v32;
	[tilespmem:v37+s11+$0x0] =	vst.idx.msk $0xffff, v51  }
0x64: {  	v50 =	vmul.u32 $0x57E40, v44;
	v29 =	vor.u32 v11, v29;
	v52 =	vor.u32 v9, v49;
	[tilespmem:v33+s11+$0x0] =	vst.idx.msk $0xffff, v54  }
0x65: {  	v27 =	vor.u32 v13, v27;
	v26 =	vadd.s32 v25, v26;
	v30 =	vadd.s32 $0x258, v53;
	[tilespmem:v45+s11+$0x0] =	vst.idx.msk $0xffff, v53  }
0x66: {  	v31 =	vor.u32 v15, v31;
	v36 =	vadd.s32 v50, v43;
	[tilespmem:v42+s11+$0x0] =	vst.idx.msk $0xffff, v30  }
0x67: {  	v58 =	vadd.s32 $0x258, v55;
	v57 =	vadd.s32 $0x57E40, v36;
	v33 =	vand.u32 $0xFFFFFFF8, v56;
	[tilespmem:v48+s11+$0x0] =	vst.idx.msk $0xffff, v55  }
0x68: {  	v26 =	vand.u32 $0xFFFFFFF8, v26;
	v59 =	vadd.s32 v57, v41;
	v60 =	vor.u32 v1, v33;
	[tilespmem:v32+s11+$0x0] =	vst.idx.msk $0xffff, v58  }
0x69: {  	v26 =	vor.u32 v3, v26;
	v61 =	vadd.s32 $0x258, v59;
	[tilespmem:v52+s11+$0x0] =	vst.idx.msk $0xffff, v59  }
0x6a: {  	v62 =	vadd.s32 v38, v57;
	[tilespmem:v29+s11+$0x0] =	vst.idx.msk $0xffff, v61  }
0x6b: {  	[tilespmem:v27+s11+$0x0] =	vst.idx.msk $0xffff, v62;
	v27 =	vadd.s32 $0x258, v62  }
0x6c: {  	v63 =	vadd.s32 v39, v57;
	[tilespmem:v31+s11+$0x0] =	vst.idx.msk $0xffff, v27  }
0x6d: {  	v27 =	vadd.s32 $0x258, v63;
	[tilespmem:v60+s11+$0x0] =	vst.idx.msk $0xffff, v63  }
0x6e: {  	s18 =	simm.s32 $0xA800;
	s19 =	simm.s32 $0x1800;
	[tilespmem:v26+s11+$0x0] =	vst.idx.msk $0xffff, v27  }
0x6f: {  	[tilespmem:s18], [sflag:$0x1] =	stream.indirect.gather [hbm4b:s7+s12], $0x1, s19, s12, $0xb8;
	[tilespmem:$0x13800] =	vst v63  }
0x70: {  	s30 =	simm.s32 $0xAA00;
	s31 =	simm.s32 $0x1A00  }
0x71: {  	[tilespmem:s30], [sflag:$0x1] =	stream.indirect.gather [hbm4b:s7+s12], $0x1, s31, s12, $0xb8;
	[tilespmem:$0x13800] =	vst v63  }
0x72: {  	s20 =	simm.s32 $0x1C00;
	s19 =	simm.s32 $0xAC00  }
0x73: {  	[tilespmem:s19], [sflag:$0x1] =	stream.indirect.gather [hbm4b:s7+s12], $0x1, s20, s12, $0xb8;
	[tilespmem:$0x13800] =	vst v63  }
0x74: {  	s21 =	simm.s32 $0xAE00;
	s22 =	simm.s32 $0x1E00  }
0x75: {  	[tilespmem:s21], [sflag:$0x1] =	stream.indirect.gather [hbm4b:s7+s12], $0x1, s22, s12, $0xb8;
	[tilespmem:$0x13800] =	vst v63  }
0x76: {  	s23 =	simm.s32 $0xB000;
	s24 =	simm.s32 $0x2000  }
0x77: {  	[tilespmem:s23], [sflag:$0x1] =	stream.indirect.gather [hbm4b:s7+s12], $0x1, s24, s12, $0xb8;
	[tilespmem:$0x13800] =	vst v63  }
0x78: {  	s25 =	simm.s32 $0xB200;
	s26 =	simm.s32 $0x2200  }
0x79: {  	[tilespmem:s25], [sflag:$0x1] =	stream.indirect.gather [hbm4b:s7+s12], $0x1, s26, s12, $0xb8;
	[tilespmem:$0x13800] =	vst v63  }
0x7a: {  	s28 =	simm.s32 $0xB400;
	s29 =	simm.s32 $0x2400  }
0x7b: {  	[tilespmem:s28], [sflag:$0x1] =	stream.indirect.gather [hbm4b:s7+s12], $0x1, s29, s12, $0xb8;
	[tilespmem:$0x13800] =	vst v63  }
0x7c: {  	s30 =	simm.s32 $0xB600;
	s31 =	simm.s32 $0x2600  }
0x7d: {  	[tilespmem:s30], [sflag:$0x1] =	stream.indirect.gather [hbm4b:s7+s12], $0x1, s31, s12, $0xb8;
	[tilespmem:$0x13800] =	vst v63  }
0x7e: {  	_ =	swait.ge [sflag:s13], $0x200  }
0x7f: {  	[sflag:s13] =	ssyncset.done $0x0  }
0x80: {  	[sflag:s13] =	ssyncadd.s32 $0xFFFFFE00  }
0x81: {  	_ =	swait.ge [sflag:s13], $0x200  }
0x82: {  	[sflag:s13] =	ssyncset.done $0x0  }
0x83: {  	[sflag:s13] =	ssyncadd.s32 $0xFFFFFE00  }
0x84: {  	_ =	swait.ge [sflag:s13], $0x200  }
0x85: {  	[sflag:s13] =	ssyncset.done $0x0  }
0x86: {  	[sflag:s13] =	ssyncadd.s32 $0xFFFFFE00  }
0x87: {  	_ =	swait.ge [sflag:s13], $0x200  }
0x88: {  	[sflag:s13] =	ssyncset.done $0x0  }
0x89: {  	[sflag:s13] =	ssyncadd.s32 $0xFFFFFE00  }
0x8a: {  	_ =	swait.ge [sflag:s13], $0x200  }
0x8b: {  	[sflag:s13] =	ssyncset.done $0x0  }
0x8c: {  	[sflag:s13] =	ssyncadd.s32 $0xFFFFFE00  }
0x8d: {  	_ =	swait.ge [sflag:s13], $0x200  }
0x8e: {  	[sflag:s13] =	ssyncset.done $0x0  }
0x8f: {  	[sflag:s13] =	ssyncadd.s32 $0xFFFFFE00  }
0x90: {  	_ =	swait.ge [sflag:s13], $0x200  }
0x91: {  	[sflag:s13] =	ssyncset.done $0x0  }
0x92: {  	[sflag:s13] =	ssyncadd.s32 $0xFFFFFE00  }
0x93: {  	_ =	swait.ge [sflag:s13], $0x200  }
0x94: {  	s20 =	simm.s32 $0x1000;
	s21 =	simm.s32 $0x8000;
	[sflag:s13] =	ssyncset.done $0x0  }
.LBB2_5:
0x95: {  	s19 =	sadd.s32 $0xA800, s20  }
0x96: {  	s22 =	sadd.s32 $0x1800, s20;
	[sflag:s13] =	ssyncadd.s32 $0xFFFFFE00;
	s18 =	smov.u32 s21  }
0x97: {  	[tilespmem:s19], [sflag:$0x1] =	stream.indirect.gather [hbm4b:s7+s12], $0x1, s22, s12, $0xb8;
	[tilespmem:$0x13800] =	vst v63  }
0x98: {  	s23 =	sadd.s32 $0x1A00, s20;
	s19 =	sadd.s32 $0x4000, s21;
	s22 =	sadd.s32 $0xAA00, s20  }
0x99: {  	[tilespmem:s22], [sflag:$0x1] =	stream.indirect.gather [hbm4b:s7+s12], $0x1, s23, s12, $0xb8;
	[tilespmem:$0x13800] =	vst v63  }
0x9a: {  	p0 =	sne.s32 s21, $0x20000;
	s21 =	sadd.s32 $0xAC00, s20;
	s22 =	sadd.s32 $0x1C00, s20  }
0x9b: {  	[tilespmem:s21], [sflag:$0x1] =	stream.indirect.gather [hbm4b:s7+s12], $0x1, s22, s12, $0xb8;
	[tilespmem:$0x13800] =	vst v63  }
0x9c: {  	s21 =	sadd.s32 $0xAE00, s20;
	s22 =	sadd.s32 $0x1E00, s20  }
0x9d: {  	[tilespmem:s21], [sflag:$0x1] =	stream.indirect.gather [hbm4b:s7+s12], $0x1, s22, s12, $0xb8;
	[tilespmem:$0x13800] =	vst v63  }
0x9e: {  	s21 =	sadd.s32 $0xB000, s20;
	s22 =	sadd.s32 $0x2000, s20  }
0x9f: {  	[tilespmem:s21], [sflag:$0x1] =	stream.indirect.gather [hbm4b:s7+s12], $0x1, s22, s12, $0xb8;
	[tilespmem:$0x13800] =	vst v63  }
0xa0: {  	s21 =	sadd.s32 $0xB200, s20;
	s22 =	sadd.s32 $0x2200, s20  }
0xa1: {  	[tilespmem:s21], [sflag:$0x1] =	stream.indirect.gather [hbm4b:s7+s12], $0x1, s22, s12, $0xb8;
	[tilespmem:$0x13800] =	vst v63  }
0xa2: {  	s21 =	sadd.s32 $0xB400, s20;
	s22 =	sadd.s32 $0x2400, s20  }
0xa3: {  	[tilespmem:s21], [sflag:$0x1] =	stream.indirect.gather [hbm4b:s7+s12], $0x1, s22, s12, $0xb8;
	[tilespmem:$0x13800] =	vst v63  }
0xa4: {  	s21 =	sadd.s32 $0xB600, s20;
	s20 =	sadd.s32 $0x2600, s20  }
0xa5: {  	[tilespmem:s21], [sflag:$0x1] =	stream.indirect.gather [hbm4b:s7+s12], $0x1, s20, s12, $0xb8;
	[tilespmem:$0x13800] =	vst v63  }
0xa6: {  	_ =	swait.ge [sflag:s13], $0x200  }
0xa7: {  	[sflag:s13] =	ssyncset.done $0x0  }
0xa8: {  	[sflag:s13] =	ssyncadd.s32 $0xFFFFFE00  }
0xa9: {  	_ =	swait.ge [sflag:s13], $0x200  }
0xaa: {  	[sflag:s13] =	ssyncset.done $0x0  }
0xab: {  	[sflag:s13] =	ssyncadd.s32 $0xFFFFFE00  }
0xac: {  	_ =	swait.ge [sflag:s13], $0x200  }
0xad: {  	[sflag:s13] =	ssyncset.done $0x0  }
0xae: {  	[sflag:s13] =	ssyncadd.s32 $0xFFFFFE00  }
0xaf: {  	_ =	swait.ge [sflag:s13], $0x200  }
0xb0: {  	[sflag:s13] =	ssyncset.done $0x0  }
0xb1: {  	[sflag:s13] =	ssyncadd.s32 $0xFFFFFE00  }
0xb2: {  	_ =	swait.ge [sflag:s13], $0x200  }
0xb3: {  	[sflag:s13] =	ssyncset.done $0x0  }
0xb4: {  	[sflag:s13] =	ssyncadd.s32 $0xFFFFFE00  }
0xb5: {  	_ =	swait.ge [sflag:s13], $0x200  }
0xb6: {  	[sflag:s13] =	ssyncset.done $0x0  }
0xb7: {  	[sflag:s13] =	ssyncadd.s32 $0xFFFFFE00  }
.Ltmp1:
0xb8: {  	_ =	swait.ge [sflag:s13], $0x200;
	(pc) =	sbr.rel @p0 .LBB2_5-.Ltmp1, $4  }
0xb9: {  	[sflag:s13] =	ssyncset.done $0x0  }
0xba: {  	[sflag:s13] =	ssyncadd.s32 $0xFFFFFE00  }
0xbb: {  	_ =	swait.ge [sflag:s13], $0x200  }
0xbc: {  	s20 =	sshra.s32 s18, $0x2;
	s21 =	smov.u32 s19;
	[sflag:s13] =	ssyncset.done $0x0  }
0xbd: {  	s18 =	sadd.s32 $0xA800, s20;
	s19 =	sadd.s32 $0x1800, s20;
	[sflag:s13] =	ssyncadd.s32 $0xFFFFFE00  }
0xbe: {  	[tilespmem:s18], [sflag:$0x1] =	stream.indirect.gather [hbm4b:s7+s12], $0x1, s19, s12, $0xb8;
	[tilespmem:$0x13800] =	vst v63  }
0xbf: {  	s28 =	sadd.s32 $0xAA00, s20;
	s29 =	sadd.s32 $0x1A00, s20  }
0xc0: {  	[tilespmem:s28], [sflag:$0x1] =	stream.indirect.gather [hbm4b:s7+s12], $0x1, s29, s12, $0xb8;
	[tilespmem:$0x13800] =	vst v63  }
0xc1: {  	s30 =	sadd.s32 $0xAC00, s20;
	s31 =	sadd.s32 $0x1C00, s20  }
0xc2: {  	[tilespmem:s30], [sflag:$0x1] =	stream.indirect.gather [hbm4b:s7+s12], $0x1, s31, s12, $0xb8;
	[tilespmem:$0x13800] =	vst v63  }
0xc3: {  	s21 =	sadd.s32 $0xAE00, s20;
	s22 =	sadd.s32 $0x1E00, s20  }
0xc4: {  	[tilespmem:s21], [sflag:$0x1] =	stream.indirect.gather [hbm4b:s7+s12], $0x1, s22, s12, $0xb8;
	[tilespmem:$0x13800] =	vst v63  }
0xc5: {  	s23 =	sadd.s32 $0xB000, s20;
	s24 =	sadd.s32 $0x2000, s20  }
0xc6: {  	[tilespmem:s23], [sflag:$0x1] =	stream.indirect.gather [hbm4b:s7+s12], $0x1, s24, s12, $0xb8;
	[tilespmem:$0x13800] =	vst v63  }
0xc7: {  	s25 =	sadd.s32 $0xB200, s20;
	s26 =	sadd.s32 $0x2200, s20  }
0xc8: {  	[tilespmem:s25], [sflag:$0x1] =	stream.indirect.gather [hbm4b:s7+s12], $0x1, s26, s12, $0xb8;
	[tilespmem:$0x13800] =	vst v63  }
0xc9: {  	s28 =	sadd.s32 $0xB400, s20;
	s29 =	sadd.s32 $0x2400, s20  }
0xca: {  	[tilespmem:s28], [sflag:$0x1] =	stream.indirect.gather [hbm4b:s7+s12], $0x1, s29, s12, $0xb8;
	[tilespmem:$0x13800] =	vst v63  }
0xcb: {  	s30 =	sadd.s32 $0xB600, s20;
	s31 =	sadd.s32 $0x2600, s20  }
0xcc: {  	[tilespmem:s30], [sflag:$0x1] =	stream.indirect.gather [hbm4b:s7+s12], $0x1, s31, s12, $0xb8;
	[tilespmem:$0x13800] =	vst v63  }
0xcd: {  	_ =	swait.ge [sflag:s13], $0x200  }
0xce: {  	[sflag:s13] =	ssyncset.done $0x0  }
0xcf: {  	[sflag:s13] =	ssyncadd.s32 $0xFFFFFE00  }
0xd0: {  	_ =	swait.ge [sflag:s13], $0x200  }
0xd1: {  	[sflag:s13] =	ssyncset.done $0x0  }
0xd2: {  	[sflag:s13] =	ssyncadd.s32 $0xFFFFFE00  }
0xd3: {  	_ =	swait.ge [sflag:s13], $0x200  }
0xd4: {  	[sflag:s13] =	ssyncset.done $0x0  }
0xd5: {  	[sflag:s13] =	ssyncadd.s32 $0xFFFFFE00  }
0xd6: {  	_ =	swait.ge [sflag:s13], $0x200  }
0xd7: {  	[sflag:s13] =	ssyncset.done $0x0  }
0xd8: {  	[sflag:s13] =	ssyncadd.s32 $0xFFFFFE00  }
0xd9: {  	_ =	swait.ge [sflag:s13], $0x200  }
0xda: {  	[sflag:s13] =	ssyncset.done $0x0  }
0xdb: {  	[sflag:s13] =	ssyncadd.s32 $0xFFFFFE00  }
0xdc: {  	_ =	swait.ge [sflag:s13], $0x200  }
0xdd: {  	[sflag:s13] =	ssyncset.done $0x0  }
0xde: {  	[sflag:s13] =	ssyncadd.s32 $0xFFFFFE00  }
0xdf: {  	_ =	swait.ge [sflag:s13], $0x200  }
0xe0: {  	[sflag:s13] =	ssyncset.done $0x0  }
0xe1: {  	s17 =	smul.u32 $0x12, s17;
	[sflag:s13] =	ssyncadd.s32 $0xFFFFFE00  }
0xe2: {  	s16 =	sadd.s32 $0x1, s16;
	_ =	swait.ge [sflag:s13], $0x200  }
0xe3: {  	p0 =	sne.s32 s16, $0x4;
	s17 =	sshrl.u32 s17, $0x3;
	[sflag:s13] =	ssyncset.done $0x0  }
.Ltmp2:
0xe4: {  	s17 =	sadd.s32 s1, s17;
	[sflag:s13] =	ssyncadd.s32 $0xFFFFFE00;
	(pc) =	sbr.rel @p0 .LBB2_2-.Ltmp2, $4  }
0xe5: {  	[hbm4b:s17+s2] =	stream.linear.scatter [tilespmem:s14], [sflag:$0x2], $0x9000, $0x38;
	[tilespmem:$0x13800] =	vst v63  }
0xe6: {  	_ =	swait.ge [sflag:s10], $0x9000  }
0xe7: {  	[sflag:s10] =	ssyncset.done $0x0  }
0xe8: {  	[sflag:s10] =	ssyncadd.s32 $0xFFFF7000  }
0xe9: {  	s15 =	sadd.s32 $0x1, s15  }
0xea: {  	p0 =	sne.s32 s15, s9  }
.Ltmp3:
0xeb: {  	_ = 	snop;
	(pc) =	sbr.rel @p0 .LBB2_1-.Ltmp3, $1  }
0xec: {  	_ =	sdelay $0x3  }
0xed: {  	_ =	sfence.sel $0x180000  }
0xee: {  	[bflag:$0x0] =	sbarrier.arrive $0xFFFF  }
0xef: {  	p0 =	sne.s32 s5, $0x0;
	_ =	strace $0x90000047  }
0xf0: {  	s0 =	sadd.s32 @!p0 $0x100000, s0;
	[bflag:$0x2] =	sbarrier.arrive $0xFFFF  }
0xf1: {  	[sflag:s0] =	ssyncadd.tile.s32 @!p0 $0x1;
	_ =	shalt  }
.Lfunc_end2:
_tile_overlayer_lowered:
.L_overlay_start_2:
0xf2: {  	(tag) =	ssettag $0x2  }
0xf3: {  	s0 =	rddreg [dreg:$0x0];
	s2 =	stileid.u32  }
0xf4: {  	s1 =	rddreg [dreg:$0x1];
	p0 =	sne.s32 s2, $0x0  }
0xf5: {  	s3 =	rddreg [dreg:$0x2];
	[bflag:$0x3] =	sbarrier.arrive $0xFFFF;
	s2 =	simm.s32 @!p0 $0x1C02  }
0xf6: {  	[timem:s3], [sflag:s2] =	dma.local @!p0 [hbm:s0], s1  }
0xf7: {  	s0 =	simm.s32 @!p0 $0x2  }
0xf8: {  	_ =	swait.ge @!p0 [sflag:s0], s1  }
0xf9: {  	s1 =	ssub.s32 @!p0 $0x0, s1;
	[sflag:s0] =	ssyncset.done @!p0 $0x0  }
0xfa: {  	[sflag:s0] =	ssyncadd.s32 @!p0 s1  }
0xfb: {  	[bflag:$0x3] =	sbarrier.arrive $0xFFFF  }
0xfc: {  	_ =	shalt  }

</sc_bundles>
